<compile_context>
chip_gen: v7x
topology: tpu7x:2x2x1
jax: 0.10.2.dev20260603
libtpu: 0.0.44.dev20260713+nightly
codegen_flags: <defaults>
</compile_context>

<pallas_src>
import functools

import jax
import jax.numpy as jnp
from jax import lax
from jax.experimental import pallas as pl
from jax.experimental.pallas import tpu as pltpu
from jax.experimental.pallas import tpu_sc as plsc

_NC, _NS = 2, 16
_NW = _NC * _NS
_L = 16
_CHUNK = 2048


def _combine_tables(special_table, blosum_table):
    n_special = special_table.shape[0]

    def body(sp_ref, bl_ref, out_ref):
        bl = bl_ref[...]
        rid = lax.broadcasted_iota(jnp.int32, bl.shape, 0)
        ext = jnp.broadcast_to(sp_ref[0:1], bl.shape)
        for r in range(1, n_special):
            row = jnp.broadcast_to(sp_ref[r:r + 1], bl.shape)
            ext = jnp.where(rid == r, row, ext)
        out_ref[...] = bl + ext

    return pl.pallas_call(
        body,
        out_shape=jax.ShapeDtypeStruct(blosum_table.shape, blosum_table.dtype),
    )(special_table, blosum_table)


@functools.partial(jax.jit, static_argnames=("n", "d"))
def _sc_gather(comb_flat, idx_flat, n, d):
    vd = comb_flat.shape[0]
    tokens_per_worker = n // _NW
    n_chunks = tokens_per_worker // _CHUNK
    assert n_chunks % 2 == 0
    mesh = plsc.VectorSubcoreMesh(core_axis_name="c", subcore_axis_name="s")

    @functools.partial(
        pl.kernel,
        out_type=jax.ShapeDtypeStruct((n * d,), jnp.float32),
        mesh=mesh,
        scratch_types=[
            pltpu.VMEM((vd,), jnp.float32),
            pltpu.VMEM((_CHUNK,), jnp.int32),
            pltpu.VMEM((_CHUNK,), jnp.int32),
            pltpu.VMEM((_CHUNK * d,), jnp.float32),
            pltpu.VMEM((_CHUNK * d,), jnp.float32),
            pltpu.SemaphoreType.DMA,
            pltpu.SemaphoreType.DMA,
        ],
        compiler_params=pltpu.CompilerParams(
            use_tc_tiling_on_sc=False, needs_layout_passes=False),
    )
    def k(comb_hbm, idx_hbm, out_hbm, comb_v, idx_v0, idx_v1, pk_v0, pk_v1,
          sem0, sem1):
        idx_v = (idx_v0, idx_v1)
        pk_v = (pk_v0, pk_v1)
        sem = (sem0, sem1)
        wid = lax.axis_index("c") * _NS + lax.axis_index("s")
        wbase = wid * tokens_per_worker
        pltpu.sync_copy(comb_hbm, comb_v)
        lanes_d = lax.iota(jnp.int32, _L) * d

        def chunk(pi, carry):
            for slot in range(2):
                ci = pi * 2 + slot
                tbase = wbase + ci * _CHUNK

                @pl.when(pi > 0)
                def _():
                    pltpu.make_async_copy(
                        pk_v[slot], out_hbm.at[pl.ds(0, _CHUNK * d)],
                        sem[slot]).wait()

                pltpu.sync_copy(idx_hbm.at[pl.ds(tbase, _CHUNK)], idx_v[slot])
                idx_ref = idx_v[slot]
                pk_ref = pk_v[slot]

                @plsc.parallel_loop(0, _CHUNK // _L, step=1, unroll=4)
                def _(g):
                    idxv = idx_ref[pl.ds(g * _L, _L)]
                    avec = idxv * d
                    pvec = lanes_d + g * (_L * d)
                    for dd in range(d):
                        v = plsc.load_gather(comb_v, [avec + dd])
                        plsc.store_scatter(pk_ref, [pvec + dd], v)
                pltpu.async_copy(
                    pk_ref, out_hbm.at[pl.ds(tbase * d, _CHUNK * d)],
                    sem[slot])
            return carry

        lax.fori_loop(0, n_chunks // 2, chunk, 0)
        for slot in range(2):
            pltpu.make_async_copy(
                pk_v[slot], out_hbm.at[pl.ds(0, _CHUNK * d)], sem[slot]).wait()

    return k(comb_flat, idx_flat)


def kernel(token_indices, special_table, blosum_table):
    b, s = token_indices.shape
    d = blosum_table.shape[1]
    n = b * s
    assert n % (_NW * _CHUNK * 2) == 0
    comb = _combine_tables(special_table, blosum_table)
    idx_flat = token_indices.astype(jnp.int32).reshape(n)
    out = _sc_gather(comb.reshape(-1), idx_flat, n, d)
    return out.reshape(b, s, d)

# --- scband reference (transcript-rebuilt; emitter-appended) ---
"""Pipeline reference for scband-blosum-embedding-58050777973437 (READ-ONLY COPY).

The authoritative reference and input builder live on the scoring server;
editing this copy changes nothing except your own understanding.
"""

import jax, jax.numpy as jnp
import numpy as np

_STD = "ARNDCQEGHILKMFPSTWYV"
_ALPHA = "ACDEFGHIKLMNPQRSTVWY"
_N_SPECIAL = 3  # len(DefaultTokenIndex): NULL=0, MASK=1, CLS=2
_B62_STD = np.array([
    [ 4,-1,-2,-2, 0,-1,-1, 0,-2,-1,-1,-1,-1,-2,-1, 1, 0,-3,-2, 0],
    [-1, 5, 0,-2,-3, 1, 0,-2, 0,-3,-2, 2,-1,-3,-2,-1,-1,-3,-2,-3],
    [-2, 0, 6, 1,-3, 0, 0, 0, 1,-3,-3, 0,-2,-3,-2, 1, 0,-4,-2,-3],
    [-2,-2, 1, 6,-3, 0, 2,-1,-1,-3,-4,-1,-3,-3,-1, 0,-1,-4,-3,-3],
    [ 0,-3,-3,-3, 9,-3,-4,-3,-3,-1,-1,-3,-1,-2,-3,-1,-1,-2,-2,-1],
    [-1, 1, 0, 0,-3, 5, 2,-2, 0,-3,-2, 1, 0,-3,-1, 0,-1,-2,-1,-2],
    [-1, 0, 0, 2,-4, 2, 5,-2, 0,-3,-3, 1,-2,-3,-1, 0,-1,-3,-2,-2],
    [ 0,-2, 0,-1,-3,-2,-2, 6,-2,-4,-4,-2,-3,-3,-2, 0,-2,-2,-3,-3],
    [-2, 0, 1,-1,-3, 0, 0,-2, 8,-3,-3,-1,-2,-1,-2,-1,-2,-2, 2,-3],
    [-1,-3,-3,-3,-1,-3,-3,-4,-3, 4, 2,-3, 1, 0,-3,-2,-1,-3,-1, 3],
    [-1,-2,-3,-4,-1,-2,-3,-4,-3, 2, 4,-2, 2, 0,-3,-2,-1,-2,-1, 1],
    [-1, 2, 0,-1,-3, 1, 1,-2,-1,-3,-2, 5,-1,-3,-1, 0,-1,-3,-2,-2],
    [-1,-1,-2,-3,-1, 0,-2,-3,-2, 1, 2,-1, 5, 0,-2,-1,-1,-1,-1, 1],
    [-2,-3,-3,-3,-2,-3,-3,-3,-1, 0, 0,-3, 0, 6,-4,-2,-2, 1, 3,-1],
    [-1,-2,-2,-1,-3,-1,-1,-2,-2,-3,-3,-1,-2,-4, 7,-1,-1,-4,-3,-2],
    [ 1,-1, 1, 0,-1, 0, 0, 0,-1,-2,-2, 0,-1,-2,-1, 4, 1,-3,-2,-2],
    [ 0,-1, 0,-1,-1,-1,-1,-2,-2,-1,-1,-1,-1,-2,-1, 1, 5,-2,-2, 0],
    [-3,-3,-4,-4,-2,-2,-3,-2,-2,-3,-2,-3,-1, 1,-4,-3,-2,11, 2,-3],
    [-2,-2,-2,-3,-2,-1,-2,-3, 2,-1,-1,-2,-1, 3,-4,-2,-2, 2, 7,-1],
    [ 0,-3,-3,-3,-1,-2,-2,-3,-3, 3, 1,-2, 1,-1,-2,-2, 0,-3,-1, 4],
], dtype=np.float32)


def _blosum_table():
    perm = [_STD.index(c) for c in _ALPHA]
    aa = _B62_STD[np.ix_(perm, perm)]
    full = np.concatenate([np.zeros((_N_SPECIAL, 20), dtype=np.float32), aa], axis=0)
    full = full / np.abs(full).max()
    return jnp.asarray(full)


def setup_inputs(seed: int = 0) -> dict:
    key = jax.random.key(seed)
    k1, k2 = jax.random.split(key)
    token_indices = jax.random.randint(k1, (16384, 200), 0, 23)
    special_table = jax.random.normal(k2, (_N_SPECIAL, 20), dtype=jnp.float32) * 0.02
    special_table = special_table.at[0].set(0.0)  # padding_idx=NULL(0)
    return {
        "token_indices": token_indices,
        "special_table": special_table,
        "blosum_table": _blosum_table(),
    }


def reference(token_indices, special_table, blosum_table):
    special_token_mask = token_indices < _N_SPECIAL
    token_indices_aa_masked_out = token_indices * special_token_mask
    special_token_embeddings = jnp.take(special_table, token_indices_aa_masked_out, axis=0)
    aa_blosum_embeddings = jnp.take(blosum_table, token_indices, axis=0)
    return special_token_embeddings + aa_blosum_embeddings

if __name__ == "__main__":
    import jax
    _d = setup_inputs()
    print(jax.jit(kernel)(*tuple(_d.values())))

</pallas_src>

<mosaic_0001>
#map = affine_map<(d0, d1) -> (0)>
module attributes {stable_mosaic.version = 14 : i64} {
  func.func @k(%arg0: i32, %arg1: i32, %arg2: memref<460xf32, #tpu.memory_space<hbm>>, %arg3: memref<3276800xi32, #tpu.memory_space<hbm>>, %arg4: memref<65536000xf32, #tpu.memory_space<hbm>>, %arg5: memref<460xf32, #tpu.memory_space<vmem>>, %arg6: memref<2048xi32, #tpu.memory_space<vmem>>, %arg7: memref<2048xi32, #tpu.memory_space<vmem>>, %arg8: memref<40960xf32, #tpu.memory_space<vmem>>, %arg9: memref<40960xf32, #tpu.memory_space<vmem>>, %arg10: memref<!tpu.dma_semaphore, #tpu.memory_space<semaphore_mem>>, %arg11: memref<!tpu.dma_semaphore, #tpu.memory_space<semaphore_mem>>) attributes {dimension_semantics = [#tpu.dimension_semantics<core_parallel>, #tpu.dimension_semantics<subcore_parallel>], iteration_bounds = array<i64: 2, 16>, scalar_prefetch = 0 : i64, scratch_operands = 7 : i64, tpu.core_type = #tpu.core_type<sc_vector_subcore>, window_params = [{transform_indices = #map}, {transform_indices = #map}, {transform_indices = #map}]} {
    %mul3A = arith.constant 16 : i32
    %mul3A_0 = arith.muli %arg0, %mul3A : i32
    %add3A = arith.addi %mul3A_0, %arg1 : i32
    %mul3A_1 = arith.constant 102400 : i32
    %mul3A_2 = arith.muli %add3A, %mul3A_1 : i32
    "tpu.region"() ({
      %run_scoped3A = tpu.sem_alloc : memref<!tpu.dma_semaphore, #tpu.memory_space<semaphore_mem>>
      tpu.enqueue_dma source(%arg2 : memref<460xf32, #tpu.memory_space<hbm>>) target(%arg5 : memref<460xf32, #tpu.memory_space<vmem>>) target_semaphore(%run_scoped3A : memref<!tpu.dma_semaphore, #tpu.memory_space<semaphore_mem>>)
      tpu.wait_dma2 semaphore(%run_scoped3A : memref<!tpu.dma_semaphore, #tpu.memory_space<semaphore_mem>>) src(%arg2 : memref<460xf32, #tpu.memory_space<hbm>>) dst(%arg5 : memref<460xf32, #tpu.memory_space<vmem>>)
      tpu.yield
    }) : () -> ()
    %iota3A = tpu.iota {dimensions = array<i32: 0>} : vector<16xi32>
    %mul3A_3 = arith.constant 20 : i32
    %mul3A_4 = vector.broadcast %mul3A_3 : i32 to vector<16xi32>
    %mul3A_5 = arith.muli %iota3A, %mul3A_4 : vector<16xi32>
    %scan3A = arith.constant 0 : i32
    %scan3A_6 = arith.constant 0 : i32
    %scan3A_7 = arith.constant 25 : i32
    %scan3A_8 = arith.addi %scan3A_6, %scan3A_7 : i32
    %scan3A_9 = arith.constant 1 : i32
    scf.for %scan3A_18 = %scan3A_6 to %scan3A_8 step %scan3A_9  : i32 {
      %mul3A_19 = arith.constant 2 : i32
      %mul3A_20 = arith.muli %scan3A_18, %mul3A_19 : i32
      %add3A_21 = arith.constant 0 : i32
      %add3A_22 = arith.addi %mul3A_20, %add3A_21 : i32
      %mul3A_23 = arith.constant 2048 : i32
      %mul3A_24 = arith.muli %add3A_22, %mul3A_23 : i32
      %add3A_25 = arith.addi %mul3A_2, %mul3A_24 : i32
      %gt3A = arith.constant 0 : i32
      %gt3A_26 = arith.cmpi sgt, %scan3A_18, %gt3A : i32
      %convert_element_type3A = arith.extui %gt3A_26 : i1 to i32
      %cond3A = arith.constant 0 : i32
      %cond3A_27 = arith.cmpi ne, %convert_element_type3A, %cond3A : i32
      scf.if %cond3A_27 {
        %dma_wait3A_52 = arith.constant 0 : i32
        %dma_wait3A_53 = tpu.memref_slice %arg4[%dma_wait3A_52] : memref<65536000xf32, #tpu.memory_space<hbm>> -> memref<40960xf32, #tpu.memory_space<hbm>>
        %dma_wait3A_54 = arith.constant 0 : i32
        %dma_wait3A_55 = tpu.memref_slice %arg4[%dma_wait3A_54] : memref<65536000xf32, #tpu.memory_space<hbm>> -> memref<40960xf32, #tpu.memory_space<hbm>>
        tpu.wait_dma2 semaphore(%arg10 : memref<!tpu.dma_semaphore, #tpu.memory_space<semaphore_mem>>) src(%arg8 : memref<40960xf32, #tpu.memory_space<vmem>>) dst(%dma_wait3A_55 : memref<40960xf32, #tpu.memory_space<hbm>>)
      } else {
      }
      "tpu.region"() ({
        %run_scoped3A = tpu.sem_alloc : memref<!tpu.dma_semaphore, #tpu.memory_space<semaphore_mem>>
        %dma_start3A_52 = tpu.memref_slice %arg3[%add3A_25] : memref<3276800xi32, #tpu.memory_space<hbm>> -> memref<2048xi32, #tpu.memory_space<hbm>>
        %dma_start3A_53 = tpu.memref_slice %arg3[%add3A_25] : memref<3276800xi32, #tpu.memory_space<hbm>> -> memref<2048xi32, #tpu.memory_space<hbm>>
        tpu.enqueue_dma source(%dma_start3A_53 : memref<2048xi32, #tpu.memory_space<hbm>>) target(%arg6 : memref<2048xi32, #tpu.memory_space<vmem>>) target_semaphore(%run_scoped3A : memref<!tpu.dma_semaphore, #tpu.memory_space<semaphore_mem>>)
        %dma_wait3A_54 = tpu.memref_slice %arg3[%add3A_25] : memref<3276800xi32, #tpu.memory_space<hbm>> -> memref<2048xi32, #tpu.memory_space<hbm>>
        %dma_wait3A_55 = tpu.memref_slice %arg3[%add3A_25] : memref<3276800xi32, #tpu.memory_space<hbm>> -> memref<2048xi32, #tpu.memory_space<hbm>>
        tpu.wait_dma2 semaphore(%run_scoped3A : memref<!tpu.dma_semaphore, #tpu.memory_space<semaphore_mem>>) src(%dma_wait3A_55 : memref<2048xi32, #tpu.memory_space<hbm>>) dst(%arg6 : memref<2048xi32, #tpu.memory_space<vmem>>)
        tpu.yield
      }) : () -> ()
      %parallel_loop3A = arith.constant 0 : i32
      %parallel_loop3A_28 = arith.constant 128 : i32
      %parallel_loop3A_29 = arith.constant 1 : i32
      scf.for %parallel_loop3A_52 = %parallel_loop3A to %parallel_loop3A_28 step %parallel_loop3A_29  : i32 {
        %parallel_loop3A_53 = arith.constant 16 : i32
        %parallel_loop3A_54 = arith.muli %parallel_loop3A_52, %parallel_loop3A_53 : i32
        %parallel_loop3A_55 = arith.index_cast %parallel_loop3A_54 : i32 to index
        %parallel_loop3A_56 = tpu.vector_load %arg6[%parallel_loop3A_55] {strides = array<i32>} : memref<2048xi32, #tpu.memory_space<vmem>>, vector<16xi32>,
        %parallel_loop3A_57 = arith.constant 20 : i32
        %parallel_loop3A_58 = vector.broadcast %parallel_loop3A_57 : i32 to vector<16xi32>
        %parallel_loop3A_59 = arith.muli %parallel_loop3A_56, %parallel_loop3A_58 : vector<16xi32>
        %parallel_loop3A_60 = arith.constant 320 : i32
        %parallel_loop3A_61 = arith.muli %parallel_loop3A_52, %parallel_loop3A_60 : i32
        %parallel_loop3A_62 = vector.broadcast %parallel_loop3A_61 : i32 to vector<16xi32>
        %parallel_loop3A_63 = arith.addi %mul3A_5, %parallel_loop3A_62 : vector<16xi32>
        %parallel_loop3A_64 = arith.constant 0 : i32
        %parallel_loop3A_65 = vector.broadcast %parallel_loop3A_64 : i32 to vector<16xi32>
        %parallel_loop3A_66 = arith.addi %parallel_loop3A_59, %parallel_loop3A_65 : vector<16xi32>
        %parallel_loop3A_67 = tpu.vector_load_idx %arg5[%parallel_loop3A_66] : memref<460xf32, #tpu.memory_space<vmem>>[vector<16xi32>], vector<16xf32>,
        %parallel_loop3A_68 = arith.constant 0 : i32
        %parallel_loop3A_69 = vector.broadcast %parallel_loop3A_68 : i32 to vector<16xi32>
        %parallel_loop3A_70 = arith.addi %parallel_loop3A_63, %parallel_loop3A_69 : vector<16xi32>
        tpu.vector_store_idx %arg8[%parallel_loop3A_70], %parallel_loop3A_67 : memref<40960xf32, #tpu.memory_space<vmem>>[vector<16xi32>], vector<16xf32>,
        %parallel_loop3A_71 = arith.constant 1 : i32
        %parallel_loop3A_72 = vector.broadcast %parallel_loop3A_71 : i32 to vector<16xi32>
        %parallel_loop3A_73 = arith.addi %parallel_loop3A_59, %parallel_loop3A_72 : vector<16xi32>
        %parallel_loop3A_74 = tpu.vector_load_idx %arg5[%parallel_loop3A_73] : memref<460xf32, #tpu.memory_space<vmem>>[vector<16xi32>], vector<16xf32>,
        %parallel_loop3A_75 = arith.constant 1 : i32
        %parallel_loop3A_76 = vector.broadcast %parallel_loop3A_75 : i32 to vector<16xi32>
        %parallel_loop3A_77 = arith.addi %parallel_loop3A_63, %parallel_loop3A_76 : vector<16xi32>
        tpu.vector_store_idx %arg8[%parallel_loop3A_77], %parallel_loop3A_74 : memref<40960xf32, #tpu.memory_space<vmem>>[vector<16xi32>], vector<16xf32>,
        %parallel_loop3A_78 = arith.constant 2 : i32
        %parallel_loop3A_79 = vector.broadcast %parallel_loop3A_78 : i32 to vector<16xi32>
        %parallel_loop3A_80 = arith.addi %parallel_loop3A_59, %parallel_loop3A_79 : vector<16xi32>
        %parallel_loop3A_81 = tpu.vector_load_idx %arg5[%parallel_loop3A_80] : memref<460xf32, #tpu.memory_space<vmem>>[vector<16xi32>], vector<16xf32>,
        %parallel_loop3A_82 = arith.constant 2 : i32
        %parallel_loop3A_83 = vector.broadcast %parallel_loop3A_82 : i32 to vector<16xi32>
        %parallel_loop3A_84 = arith.addi %parallel_loop3A_63, %parallel_loop3A_83 : vector<16xi32>
        tpu.vector_store_idx %arg8[%parallel_loop3A_84], %parallel_loop3A_81 : memref<40960xf32, #tpu.memory_space<vmem>>[vector<16xi32>], vector<16xf32>,
        %parallel_loop3A_85 = arith.constant 3 : i32
        %parallel_loop3A_86 = vector.broadcast %parallel_loop3A_85 : i32 to vector<16xi32>
        %parallel_loop3A_87 = arith.addi %parallel_loop3A_59, %parallel_loop3A_86 : vector<16xi32>
        %parallel_loop3A_88 = tpu.vector_load_idx %arg5[%parallel_loop3A_87] : memref<460xf32, #tpu.memory_space<vmem>>[vector<16xi32>], vector<16xf32>,
        %parallel_loop3A_89 = arith.constant 3 : i32
        %parallel_loop3A_90 = vector.broadcast %parallel_loop3A_89 : i32 to vector<16xi32>
        %parallel_loop3A_91 = arith.addi %parallel_loop3A_63, %parallel_loop3A_90 : vector<16xi32>
        tpu.vector_store_idx %arg8[%parallel_loop3A_91], %parallel_loop3A_88 : memref<40960xf32, #tpu.memory_space<vmem>>[vector<16xi32>], vector<16xf32>,
        %parallel_loop3A_92 = arith.constant 4 : i32
        %parallel_loop3A_93 = vector.broadcast %parallel_loop3A_92 : i32 to vector<16xi32>
        %parallel_loop3A_94 = arith.addi %parallel_loop3A_59, %parallel_loop3A_93 : vector<16xi32>
        %parallel_loop3A_95 = tpu.vector_load_idx %arg5[%parallel_loop3A_94] : memref<460xf32, #tpu.memory_space<vmem>>[vector<16xi32>], vector<16xf32>,
        %parallel_loop3A_96 = arith.constant 4 : i32
        %parallel_loop3A_97 = vector.broadcast %parallel_loop3A_96 : i32 to vector<16xi32>
        %parallel_loop3A_98 = arith.addi %parallel_loop3A_63, %parallel_loop3A_97 : vector<16xi32>
        tpu.vector_store_idx %arg8[%parallel_loop3A_98], %parallel_loop3A_95 : memref<40960xf32, #tpu.memory_space<vmem>>[vector<16xi32>], vector<16xf32>,
        %parallel_loop3A_99 = arith.constant 5 : i32
        %parallel_loop3A_100 = vector.broadcast %parallel_loop3A_99 : i32 to vector<16xi32>
        %parallel_loop3A_101 = arith.addi %parallel_loop3A_59, %parallel_loop3A_100 : vector<16xi32>
        %parallel_loop3A_102 = tpu.vector_load_idx %arg5[%parallel_loop3A_101] : memref<460xf32, #tpu.memory_space<vmem>>[vector<16xi32>], vector<16xf32>,
        %parallel_loop3A_103 = arith.constant 5 : i32
        %parallel_loop3A_104 = vector.broadcast %parallel_loop3A_103 : i32 to vector<16xi32>
        %parallel_loop3A_105 = arith.addi %parallel_loop3A_63, %parallel_loop3A_104 : vector<16xi32>
        tpu.vector_store_idx %arg8[%parallel_loop3A_105], %parallel_loop3A_102 : memref<40960xf32, #tpu.memory_space<vmem>>[vector<16xi32>], vector<16xf32>,
        %parallel_loop3A_106 = arith.constant 6 : i32
        %parallel_loop3A_107 = vector.broadcast %parallel_loop3A_106 : i32 to vector<16xi32>
        %parallel_loop3A_108 = arith.addi %parallel_loop3A_59, %parallel_loop3A_107 : vector<16xi32>
        %parallel_loop3A_109 = tpu.vector_load_idx %arg5[%parallel_loop3A_108] : memref<460xf32, #tpu.memory_space<vmem>>[vector<16xi32>], vector<16xf32>,
        %parallel_loop3A_110 = arith.constant 6 : i32
        %parallel_loop3A_111 = vector.broadcast %parallel_loop3A_110 : i32 to vector<16xi32>
        %parallel_loop3A_112 = arith.addi %parallel_loop3A_63, %parallel_loop3A_111 : vector<16xi32>
        tpu.vector_store_idx %arg8[%parallel_loop3A_112], %parallel_loop3A_109 : memref<40960xf32, #tpu.memory_space<vmem>>[vector<16xi32>], vector<16xf32>,
        %parallel_loop3A_113 = arith.constant 7 : i32
        %parallel_loop3A_114 = vector.broadcast %parallel_loop3A_113 : i32 to vector<16xi32>
        %parallel_loop3A_115 = arith.addi %parallel_loop3A_59, %parallel_loop3A_114 : vector<16xi32>
        %parallel_loop3A_116 = tpu.vector_load_idx %arg5[%parallel_loop3A_115] : memref<460xf32, #tpu.memory_space<vmem>>[vector<16xi32>], vector<16xf32>,
        %parallel_loop3A_117 = arith.constant 7 : i32
        %parallel_loop3A_118 = vector.broadcast %parallel_loop3A_117 : i32 to vector<16xi32>
        %parallel_loop3A_119 = arith.addi %parallel_loop3A_63, %parallel_loop3A_118 : vector<16xi32>
        tpu.vector_store_idx %arg8[%parallel_loop3A_119], %parallel_loop3A_116 : memref<40960xf32, #tpu.memory_space<vmem>>[vector<16xi32>], vector<16xf32>,
        %parallel_loop3A_120 = arith.constant 8 : i32
        %parallel_loop3A_121 = vector.broadcast %parallel_loop3A_120 : i32 to vector<16xi32>
        %parallel_loop3A_122 = arith.addi %parallel_loop3A_59, %parallel_loop3A_121 : vector<16xi32>
        %parallel_loop3A_123 = tpu.vector_load_idx %arg5[%parallel_loop3A_122] : memref<460xf32, #tpu.memory_space<vmem>>[vector<16xi32>], vector<16xf32>,
        %parallel_loop3A_124 = arith.constant 8 : i32
        %parallel_loop3A_125 = vector.broadcast %parallel_loop3A_124 : i32 to vector<16xi32>
        %parallel_loop3A_126 = arith.addi %parallel_loop3A_63, %parallel_loop3A_125 : vector<16xi32>
        tpu.vector_store_idx %arg8[%parallel_loop3A_126], %parallel_loop3A_123 : memref<40960xf32, #tpu.memory_space<vmem>>[vector<16xi32>], vector<16xf32>,
        %parallel_loop3A_127 = arith.constant 9 : i32
        %parallel_loop3A_128 = vector.broadcast %parallel_loop3A_127 : i32 to vector<16xi32>
        %parallel_loop3A_129 = arith.addi %parallel_loop3A_59, %parallel_loop3A_128 : vector<16xi32>
        %parallel_loop3A_130 = tpu.vector_load_idx %arg5[%parallel_loop3A_129] : memref<460xf32, #tpu.memory_space<vmem>>[vector<16xi32>], vector<16xf32>,
        %parallel_loop3A_131 = arith.constant 9 : i32
        %parallel_loop3A_132 = vector.broadcast %parallel_loop3A_131 : i32 to vector<16xi32>
        %parallel_loop3A_133 = arith.addi %parallel_loop3A_63, %parallel_loop3A_132 : vector<16xi32>
        tpu.vector_store_idx %arg8[%parallel_loop3A_133], %parallel_loop3A_130 : memref<40960xf32, #tpu.memory_space<vmem>>[vector<16xi32>], vector<16xf32>,
        %parallel_loop3A_134 = arith.constant 10 : i32
        %parallel_loop3A_135 = vector.broadcast %parallel_loop3A_134 : i32 to vector<16xi32>
        %parallel_loop3A_136 = arith.addi %parallel_loop3A_59, %parallel_loop3A_135 : vector<16xi32>
        %parallel_loop3A_137 = tpu.vector_load_idx %arg5[%parallel_loop3A_136] : memref<460xf32, #tpu.memory_space<vmem>>[vector<16xi32>], vector<16xf32>,
        %parallel_loop3A_138 = arith.constant 10 : i32
        %parallel_loop3A_139 = vector.broadcast %parallel_loop3A_138 : i32 to vector<16xi32>
        %parallel_loop3A_140 = arith.addi %parallel_loop3A_63, %parallel_loop3A_139 : vector<16xi32>
        tpu.vector_store_idx %arg8[%parallel_loop3A_140], %parallel_loop3A_137 : memref<40960xf32, #tpu.memory_space<vmem>>[vector<16xi32>], vector<16xf32>,
        %parallel_loop3A_141 = arith.constant 11 : i32
        %parallel_loop3A_142 = vector.broadcast %parallel_loop3A_141 : i32 to vector<16xi32>
        %parallel_loop3A_143 = arith.addi %parallel_loop3A_59, %parallel_loop3A_142 : vector<16xi32>
        %parallel_loop3A_144 = tpu.vector_load_idx %arg5[%parallel_loop3A_143] : memref<460xf32, #tpu.memory_space<vmem>>[vector<16xi32>], vector<16xf32>,
        %parallel_loop3A_145 = arith.constant 11 : i32
        %parallel_loop3A_146 = vector.broadcast %parallel_loop3A_145 : i32 to vector<16xi32>
        %parallel_loop3A_147 = arith.addi %parallel_loop3A_63, %parallel_loop3A_146 : vector<16xi32>
        tpu.vector_store_idx %arg8[%parallel_loop3A_147], %parallel_loop3A_144 : memref<40960xf32, #tpu.memory_space<vmem>>[vector<16xi32>], vector<16xf32>,
        %parallel_loop3A_148 = arith.constant 12 : i32
        %parallel_loop3A_149 = vector.broadcast %parallel_loop3A_148 : i32 to vector<16xi32>
        %parallel_loop3A_150 = arith.addi %parallel_loop3A_59, %parallel_loop3A_149 : vector<16xi32>
        %parallel_loop3A_151 = tpu.vector_load_idx %arg5[%parallel_loop3A_150] : memref<460xf32, #tpu.memory_space<vmem>>[vector<16xi32>], vector<16xf32>,
        %parallel_loop3A_152 = arith.constant 12 : i32
        %parallel_loop3A_153 = vector.broadcast %parallel_loop3A_152 : i32 to vector<16xi32>
        %parallel_loop3A_154 = arith.addi %parallel_loop3A_63, %parallel_loop3A_153 : vector<16xi32>
        tpu.vector_store_idx %arg8[%parallel_loop3A_154], %parallel_loop3A_151 : memref<40960xf32, #tpu.memory_space<vmem>>[vector<16xi32>], vector<16xf32>,
        %parallel_loop3A_155 = arith.constant 13 : i32
        %parallel_loop3A_156 = vector.broadcast %parallel_loop3A_155 : i32 to vector<16xi32>
        %parallel_loop3A_157 = arith.addi %parallel_loop3A_59, %parallel_loop3A_156 : vector<16xi32>
        %parallel_loop3A_158 = tpu.vector_load_idx %arg5[%parallel_loop3A_157] : memref<460xf32, #tpu.memory_space<vmem>>[vector<16xi32>], vector<16xf32>,
        %parallel_loop3A_159 = arith.constant 13 : i32
        %parallel_loop3A_160 = vector.broadcast %parallel_loop3A_159 : i32 to vector<16xi32>
        %parallel_loop3A_161 = arith.addi %parallel_loop3A_63, %parallel_loop3A_160 : vector<16xi32>
        tpu.vector_store_idx %arg8[%parallel_loop3A_161], %parallel_loop3A_158 : memref<40960xf32, #tpu.memory_space<vmem>>[vector<16xi32>], vector<16xf32>,
        %parallel_loop3A_162 = arith.constant 14 : i32
        %parallel_loop3A_163 = vector.broadcast %parallel_loop3A_162 : i32 to vector<16xi32>
        %parallel_loop3A_164 = arith.addi %parallel_loop3A_59, %parallel_loop3A_163 : vector<16xi32>
        %parallel_loop3A_165 = tpu.vector_load_idx %arg5[%parallel_loop3A_164] : memref<460xf32, #tpu.memory_space<vmem>>[vector<16xi32>], vector<16xf32>,
        %parallel_loop3A_166 = arith.constant 14 : i32
        %parallel_loop3A_167 = vector.broadcast %parallel_loop3A_166 : i32 to vector<16xi32>
        %parallel_loop3A_168 = arith.addi %parallel_loop3A_63, %parallel_loop3A_167 : vector<16xi32>
        tpu.vector_store_idx %arg8[%parallel_loop3A_168], %parallel_loop3A_165 : memref<40960xf32, #tpu.memory_space<vmem>>[vector<16xi32>], vector<16xf32>,
        %parallel_loop3A_169 = arith.constant 15 : i32
        %parallel_loop3A_170 = vector.broadcast %parallel_loop3A_169 : i32 to vector<16xi32>
        %parallel_loop3A_171 = arith.addi %parallel_loop3A_59, %parallel_loop3A_170 : vector<16xi32>
        %parallel_loop3A_172 = tpu.vector_load_idx %arg5[%parallel_loop3A_171] : memref<460xf32, #tpu.memory_space<vmem>>[vector<16xi32>], vector<16xf32>,
        %parallel_loop3A_173 = arith.constant 15 : i32
        %parallel_loop3A_174 = vector.broadcast %parallel_loop3A_173 : i32 to vector<16xi32>
        %parallel_loop3A_175 = arith.addi %parallel_loop3A_63, %parallel_loop3A_174 : vector<16xi32>
        tpu.vector_store_idx %arg8[%parallel_loop3A_175], %parallel_loop3A_172 : memref<40960xf32, #tpu.memory_space<vmem>>[vector<16xi32>], vector<16xf32>,
        %parallel_loop3A_176 = arith.constant 16 : i32
        %parallel_loop3A_177 = vector.broadcast %parallel_loop3A_176 : i32 to vector<16xi32>
        %parallel_loop3A_178 = arith.addi %parallel_loop3A_59, %parallel_loop3A_177 : vector<16xi32>
        %parallel_loop3A_179 = tpu.vector_load_idx %arg5[%parallel_loop3A_178] : memref<460xf32, #tpu.memory_space<vmem>>[vector<16xi32>], vector<16xf32>,
        %parallel_loop3A_180 = arith.constant 16 : i32
        %parallel_loop3A_181 = vector.broadcast %parallel_loop3A_180 : i32 to vector<16xi32>
        %parallel_loop3A_182 = arith.addi %parallel_loop3A_63, %parallel_loop3A_181 : vector<16xi32>
        tpu.vector_store_idx %arg8[%parallel_loop3A_182], %parallel_loop3A_179 : memref<40960xf32, #tpu.memory_space<vmem>>[vector<16xi32>], vector<16xf32>,
        %parallel_loop3A_183 = arith.constant 17 : i32
        %parallel_loop3A_184 = vector.broadcast %parallel_loop3A_183 : i32 to vector<16xi32>
        %parallel_loop3A_185 = arith.addi %parallel_loop3A_59, %parallel_loop3A_184 : vector<16xi32>
        %parallel_loop3A_186 = tpu.vector_load_idx %arg5[%parallel_loop3A_185] : memref<460xf32, #tpu.memory_space<vmem>>[vector<16xi32>], vector<16xf32>,
        %parallel_loop3A_187 = arith.constant 17 : i32
        %parallel_loop3A_188 = vector.broadcast %parallel_loop3A_187 : i32 to vector<16xi32>
        %parallel_loop3A_189 = arith.addi %parallel_loop3A_63, %parallel_loop3A_188 : vector<16xi32>
        tpu.vector_store_idx %arg8[%parallel_loop3A_189], %parallel_loop3A_186 : memref<40960xf32, #tpu.memory_space<vmem>>[vector<16xi32>], vector<16xf32>,
        %parallel_loop3A_190 = arith.constant 18 : i32
        %parallel_loop3A_191 = vector.broadcast %parallel_loop3A_190 : i32 to vector<16xi32>
        %parallel_loop3A_192 = arith.addi %parallel_loop3A_59, %parallel_loop3A_191 : vector<16xi32>
        %parallel_loop3A_193 = tpu.vector_load_idx %arg5[%parallel_loop3A_192] : memref<460xf32, #tpu.memory_space<vmem>>[vector<16xi32>], vector<16xf32>,
        %parallel_loop3A_194 = arith.constant 18 : i32
        %parallel_loop3A_195 = vector.broadcast %parallel_loop3A_194 : i32 to vector<16xi32>
        %parallel_loop3A_196 = arith.addi %parallel_loop3A_63, %parallel_loop3A_195 : vector<16xi32>
        tpu.vector_store_idx %arg8[%parallel_loop3A_196], %parallel_loop3A_193 : memref<40960xf32, #tpu.memory_space<vmem>>[vector<16xi32>], vector<16xf32>,
        %parallel_loop3A_197 = arith.constant 19 : i32
        %parallel_loop3A_198 = vector.broadcast %parallel_loop3A_197 : i32 to vector<16xi32>
        %parallel_loop3A_199 = arith.addi %parallel_loop3A_59, %parallel_loop3A_198 : vector<16xi32>
        %parallel_loop3A_200 = tpu.vector_load_idx %arg5[%parallel_loop3A_199] : memref<460xf32, #tpu.memory_space<vmem>>[vector<16xi32>], vector<16xf32>,
        %parallel_loop3A_201 = arith.constant 19 : i32
        %parallel_loop3A_202 = vector.broadcast %parallel_loop3A_201 : i32 to vector<16xi32>
        %parallel_loop3A_203 = arith.addi %parallel_loop3A_63, %parallel_loop3A_202 : vector<16xi32>
        tpu.vector_store_idx %arg8[%parallel_loop3A_203], %parallel_loop3A_200 : memref<40960xf32, #tpu.memory_space<vmem>>[vector<16xi32>], vector<16xf32>,
      } {sc.loop_unroll_factor = 4 : i64, sc.parallel_access}
      %mul3A_30 = arith.constant 20 : i32
      %mul3A_31 = arith.muli %add3A_25, %mul3A_30 : i32
      %dma_start3A = tpu.memref_slice %arg4[%mul3A_31] : memref<65536000xf32, #tpu.memory_space<hbm>> -> memref<40960xf32, #tpu.memory_space<hbm>>
      %dma_start3A_32 = tpu.memref_slice %arg4[%mul3A_31] : memref<65536000xf32, #tpu.memory_space<hbm>> -> memref<40960xf32, #tpu.memory_space<hbm>>
      tpu.enqueue_dma source(%arg8 : memref<40960xf32, #tpu.memory_space<vmem>>) target(%dma_start3A_32 : memref<40960xf32, #tpu.memory_space<hbm>>) target_semaphore(%arg10 : memref<!tpu.dma_semaphore, #tpu.memory_space<semaphore_mem>>)
      %mul3A_33 = arith.constant 2 : i32
      %mul3A_34 = arith.muli %scan3A_18, %mul3A_33 : i32
      %add3A_35 = arith.constant 1 : i32
      %add3A_36 = arith.addi %mul3A_34, %add3A_35 : i32
      %mul3A_37 = arith.constant 2048 : i32
      %mul3A_38 = arith.muli %add3A_36, %mul3A_37 : i32
      %add3A_39 = arith.addi %mul3A_2, %mul3A_38 : i32
      %gt3A_40 = arith.constant 0 : i32
      %gt3A_41 = arith.cmpi sgt, %scan3A_18, %gt3A_40 : i32
      %convert_element_type3A_42 = arith.extui %gt3A_41 : i1 to i32
      %cond3A_43 = arith.constant 0 : i32
      %cond3A_44 = arith.cmpi ne, %convert_element_type3A_42, %cond3A_43 : i32
      scf.if %cond3A_44 {
        %dma_wait3A_52 = arith.constant 0 : i32
        %dma_wait3A_53 = tpu.memref_slice %arg4[%dma_wait3A_52] : memref<65536000xf32, #tpu.memory_space<hbm>> -> memref<40960xf32, #tpu.memory_space<hbm>>
        %dma_wait3A_54 = arith.constant 0 : i32
        %dma_wait3A_55 = tpu.memref_slice %arg4[%dma_wait3A_54] : memref<65536000xf32, #tpu.memory_space<hbm>> -> memref<40960xf32, #tpu.memory_space<hbm>>
        tpu.wait_dma2 semaphore(%arg11 : memref<!tpu.dma_semaphore, #tpu.memory_space<semaphore_mem>>) src(%arg9 : memref<40960xf32, #tpu.memory_space<vmem>>) dst(%dma_wait3A_55 : memref<40960xf32, #tpu.memory_space<hbm>>)
      } else {
      }
      "tpu.region"() ({
        %run_scoped3A = tpu.sem_alloc : memref<!tpu.dma_semaphore, #tpu.memory_space<semaphore_mem>>
        %dma_start3A_52 = tpu.memref_slice %arg3[%add3A_39] : memref<3276800xi32, #tpu.memory_space<hbm>> -> memref<2048xi32, #tpu.memory_space<hbm>>
        %dma_start3A_53 = tpu.memref_slice %arg3[%add3A_39] : memref<3276800xi32, #tpu.memory_space<hbm>> -> memref<2048xi32, #tpu.memory_space<hbm>>
        tpu.enqueue_dma source(%dma_start3A_53 : memref<2048xi32, #tpu.memory_space<hbm>>) target(%arg7 : memref<2048xi32, #tpu.memory_space<vmem>>) target_semaphore(%run_scoped3A : memref<!tpu.dma_semaphore, #tpu.memory_space<semaphore_mem>>)
        %dma_wait3A_54 = tpu.memref_slice %arg3[%add3A_39] : memref<3276800xi32, #tpu.memory_space<hbm>> -> memref<2048xi32, #tpu.memory_space<hbm>>
        %dma_wait3A_55 = tpu.memref_slice %arg3[%add3A_39] : memref<3276800xi32, #tpu.memory_space<hbm>> -> memref<2048xi32, #tpu.memory_space<hbm>>
        tpu.wait_dma2 semaphore(%run_scoped3A : memref<!tpu.dma_semaphore, #tpu.memory_space<semaphore_mem>>) src(%dma_wait3A_55 : memref<2048xi32, #tpu.memory_space<hbm>>) dst(%arg7 : memref<2048xi32, #tpu.memory_space<vmem>>)
        tpu.yield
      }) : () -> ()
      %parallel_loop3A_45 = arith.constant 0 : i32
      %parallel_loop3A_46 = arith.constant 128 : i32
      %parallel_loop3A_47 = arith.constant 1 : i32
      scf.for %parallel_loop3A_52 = %parallel_loop3A_45 to %parallel_loop3A_46 step %parallel_loop3A_47  : i32 {
        %parallel_loop3A_53 = arith.constant 16 : i32
        %parallel_loop3A_54 = arith.muli %parallel_loop3A_52, %parallel_loop3A_53 : i32
        %parallel_loop3A_55 = arith.index_cast %parallel_loop3A_54 : i32 to index
        %parallel_loop3A_56 = tpu.vector_load %arg7[%parallel_loop3A_55] {strides = array<i32>} : memref<2048xi32, #tpu.memory_space<vmem>>, vector<16xi32>,
        %parallel_loop3A_57 = arith.constant 20 : i32
        %parallel_loop3A_58 = vector.broadcast %parallel_loop3A_57 : i32 to vector<16xi32>
        %parallel_loop3A_59 = arith.muli %parallel_loop3A_56, %parallel_loop3A_58 : vector<16xi32>
        %parallel_loop3A_60 = arith.constant 320 : i32
        %parallel_loop3A_61 = arith.muli %parallel_loop3A_52, %parallel_loop3A_60 : i32
        %parallel_loop3A_62 = vector.broadcast %parallel_loop3A_61 : i32 to vector<16xi32>
        %parallel_loop3A_63 = arith.addi %mul3A_5, %parallel_loop3A_62 : vector<16xi32>
        %parallel_loop3A_64 = arith.constant 0 : i32
        %parallel_loop3A_65 = vector.broadcast %parallel_loop3A_64 : i32 to vector<16xi32>
        %parallel_loop3A_66 = arith.addi %parallel_loop3A_59, %parallel_loop3A_65 : vector<16xi32>
        %parallel_loop3A_67 = tpu.vector_load_idx %arg5[%parallel_loop3A_66] : memref<460xf32, #tpu.memory_space<vmem>>[vector<16xi32>], vector<16xf32>,
        %parallel_loop3A_68 = arith.constant 0 : i32
        %parallel_loop3A_69 = vector.broadcast %parallel_loop3A_68 : i32 to vector<16xi32>
        %parallel_loop3A_70 = arith.addi %parallel_loop3A_63, %parallel_loop3A_69 : vector<16xi32>
        tpu.vector_store_idx %arg9[%parallel_loop3A_70], %parallel_loop3A_67 : memref<40960xf32, #tpu.memory_space<vmem>>[vector<16xi32>], vector<16xf32>,
        %parallel_loop3A_71 = arith.constant 1 : i32
        %parallel_loop3A_72 = vector.broadcast %parallel_loop3A_71 : i32 to vector<16xi32>
        %parallel_loop3A_73 = arith.addi %parallel_loop3A_59, %parallel_loop3A_72 : vector<16xi32>
        %parallel_loop3A_74 = tpu.vector_load_idx %arg5[%parallel_loop3A_73] : memref<460xf32, #tpu.memory_space<vmem>>[vector<16xi32>], vector<16xf32>,
        %parallel_loop3A_75 = arith.constant 1 : i32
        %parallel_loop3A_76 = vector.broadcast %parallel_loop3A_75 : i32 to vector<16xi32>
        %parallel_loop3A_77 = arith.addi %parallel_loop3A_63, %parallel_loop3A_76 : vector<16xi32>
        tpu.vector_store_idx %arg9[%parallel_loop3A_77], %parallel_loop3A_74 : memref<40960xf32, #tpu.memory_space<vmem>>[vector<16xi32>], vector<16xf32>,
        %parallel_loop3A_78 = arith.constant 2 : i32
        %parallel_loop3A_79 = vector.broadcast %parallel_loop3A_78 : i32 to vector<16xi32>
        %parallel_loop3A_80 = arith.addi %parallel_loop3A_59, %parallel_loop3A_79 : vector<16xi32>
        %parallel_loop3A_81 = tpu.vector_load_idx %arg5[%parallel_loop3A_80] : memref<460xf32, #tpu.memory_space<vmem>>[vector<16xi32>], vector<16xf32>,
        %parallel_loop3A_82 = arith.constant 2 : i32
        %parallel_loop3A_83 = vector.broadcast %parallel_loop3A_82 : i32 to vector<16xi32>
        %parallel_loop3A_84 = arith.addi %parallel_loop3A_63, %parallel_loop3A_83 : vector<16xi32>
        tpu.vector_store_idx %arg9[%parallel_loop3A_84], %parallel_loop3A_81 : memref<40960xf32, #tpu.memory_space<vmem>>[vector<16xi32>], vector<16xf32>,
        %parallel_loop3A_85 = arith.constant 3 : i32
        %parallel_loop3A_86 = vector.broadcast %parallel_loop3A_85 : i32 to vector<16xi32>
        %parallel_loop3A_87 = arith.addi %parallel_loop3A_59, %parallel_loop3A_86 : vector<16xi32>
        %parallel_loop3A_88 = tpu.vector_load_idx %arg5[%parallel_loop3A_87] : memref<460xf32, #tpu.memory_space<vmem>>[vector<16xi32>], vector<16xf32>,
        %parallel_loop3A_89 = arith.constant 3 : i32
        %parallel_loop3A_90 = vector.broadcast %parallel_loop3A_89 : i32 to vector<16xi32>
        %parallel_loop3A_91 = arith.addi %parallel_loop3A_63, %parallel_loop3A_90 : vector<16xi32>
        tpu.vector_store_idx %arg9[%parallel_loop3A_91], %parallel_loop3A_88 : memref<40960xf32, #tpu.memory_space<vmem>>[vector<16xi32>], vector<16xf32>,
        %parallel_loop3A_92 = arith.constant 4 : i32
        %parallel_loop3A_93 = vector.broadcast %parallel_loop3A_92 : i32 to vector<16xi32>
        %parallel_loop3A_94 = arith.addi %parallel_loop3A_59, %parallel_loop3A_93 : vector<16xi32>
        %parallel_loop3A_95 = tpu.vector_load_idx %arg5[%parallel_loop3A_94] : memref<460xf32, #tpu.memory_space<vmem>>[vector<16xi32>], vector<16xf32>,
        %parallel_loop3A_96 = arith.constant 4 : i32
        %parallel_loop3A_97 = vector.broadcast %parallel_loop3A_96 : i32 to vector<16xi32>
        %parallel_loop3A_98 = arith.addi %parallel_loop3A_63, %parallel_loop3A_97 : vector<16xi32>
        tpu.vector_store_idx %arg9[%parallel_loop3A_98], %parallel_loop3A_95 : memref<40960xf32, #tpu.memory_space<vmem>>[vector<16xi32>], vector<16xf32>,
        %parallel_loop3A_99 = arith.constant 5 : i32
        %parallel_loop3A_100 = vector.broadcast %parallel_loop3A_99 : i32 to vector<16xi32>
        %parallel_loop3A_101 = arith.addi %parallel_loop3A_59, %parallel_loop3A_100 : vector<16xi32>
        %parallel_loop3A_102 = tpu.vector_load_idx %arg5[%parallel_loop3A_101] : memref<460xf32, #tpu.memory_space<vmem>>[vector<16xi32>], vector<16xf32>,
        %parallel_loop3A_103 = arith.constant 5 : i32
        %parallel_loop3A_104 = vector.broadcast %parallel_loop3A_103 : i32 to vector<16xi32>
        %parallel_loop3A_105 = arith.addi %parallel_loop3A_63, %parallel_loop3A_104 : vector<16xi32>
        tpu.vector_store_idx %arg9[%parallel_loop3A_105], %parallel_loop3A_102 : memref<40960xf32, #tpu.memory_space<vmem>>[vector<16xi32>], vector<16xf32>,
        %parallel_loop3A_106 = arith.constant 6 : i32
        %parallel_loop3A_107 = vector.broadcast %parallel_loop3A_106 : i32 to vector<16xi32>
        %parallel_loop3A_108 = arith.addi %parallel_loop3A_59, %parallel_loop3A_107 : vector<16xi32>
        %parallel_loop3A_109 = tpu.vector_load_idx %arg5[%parallel_loop3A_108] : memref<460xf32, #tpu.memory_space<vmem>>[vector<16xi32>], vector<16xf32>,
        %parallel_loop3A_110 = arith.constant 6 : i32
        %parallel_loop3A_111 = vector.broadcast %parallel_loop3A_110 : i32 to vector<16xi32>
        %parallel_loop3A_112 = arith.addi %parallel_loop3A_63, %parallel_loop3A_111 : vector<16xi32>
        tpu.vector_store_idx %arg9[%parallel_loop3A_112], %parallel_loop3A_109 : memref<40960xf32, #tpu.memory_space<vmem>>[vector<16xi32>], vector<16xf32>,
        %parallel_loop3A_113 = arith.constant 7 : i32
        %parallel_loop3A_114 = vector.broadcast %parallel_loop3A_113 : i32 to vector<16xi32>
        %parallel_loop3A_115 = arith.addi %parallel_loop3A_59, %parallel_loop3A_114 : vector<16xi32>
        %parallel_loop3A_116 = tpu.vector_load_idx %arg5[%parallel_loop3A_115] : memref<460xf32, #tpu.memory_space<vmem>>[vector<16xi32>], vector<16xf32>,
        %parallel_loop3A_117 = arith.constant 7 : i32
        %parallel_loop3A_118 = vector.broadcast %parallel_loop3A_117 : i32 to vector<16xi32>
        %parallel_loop3A_119 = arith.addi %parallel_loop3A_63, %parallel_loop3A_118 : vector<16xi32>
        tpu.vector_store_idx %arg9[%parallel_loop3A_119], %parallel_loop3A_116 : memref<40960xf32, #tpu.memory_space<vmem>>[vector<16xi32>], vector<16xf32>,
        %parallel_loop3A_120 = arith.constant 8 : i32
        %parallel_loop3A_121 = vector.broadcast %parallel_loop3A_120 : i32 to vector<16xi32>
        %parallel_loop3A_122 = arith.addi %parallel_loop3A_59, %parallel_loop3A_121 : vector<16xi32>
        %parallel_loop3A_123 = tpu.vector_load_idx %arg5[%parallel_loop3A_122] : memref<460xf32, #tpu.memory_space<vmem>>[vector<16xi32>], vector<16xf32>,
        %parallel_loop3A_124 = arith.constant 8 : i32
        %parallel_loop3A_125 = vector.broadcast %parallel_loop3A_124 : i32 to vector<16xi32>
        %parallel_loop3A_126 = arith.addi %parallel_loop3A_63, %parallel_loop3A_125 : vector<16xi32>
        tpu.vector_store_idx %arg9[%parallel_loop3A_126], %parallel_loop3A_123 : memref<40960xf32, #tpu.memory_space<vmem>>[vector<16xi32>], vector<16xf32>,
        %parallel_loop3A_127 = arith.constant 9 : i32
        %parallel_loop3A_128 = vector.broadcast %parallel_loop3A_127 : i32 to vector<16xi32>
        %parallel_loop3A_129 = arith.addi %parallel_loop3A_59, %parallel_loop3A_128 : vector<16xi32>
        %parallel_loop3A_130 = tpu.vector_load_idx %arg5[%parallel_loop3A_129] : memref<460xf32, #tpu.memory_space<vmem>>[vector<16xi32>], vector<16xf32>,
        %parallel_loop3A_131 = arith.constant 9 : i32
        %parallel_loop3A_132 = vector.broadcast %parallel_loop3A_131 : i32 to vector<16xi32>
        %parallel_loop3A_133 = arith.addi %parallel_loop3A_63, %parallel_loop3A_132 : vector<16xi32>
        tpu.vector_store_idx %arg9[%parallel_loop3A_133], %parallel_loop3A_130 : memref<40960xf32, #tpu.memory_space<vmem>>[vector<16xi32>], vector<16xf32>,
        %parallel_loop3A_134 = arith.constant 10 : i32
        %parallel_loop3A_135 = vector.broadcast %parallel_loop3A_134 : i32 to vector<16xi32>
        %parallel_loop3A_136 = arith.addi %parallel_loop3A_59, %parallel_loop3A_135 : vector<16xi32>
        %parallel_loop3A_137 = tpu.vector_load_idx %arg5[%parallel_loop3A_136] : memref<460xf32, #tpu.memory_space<vmem>>[vector<16xi32>], vector<16xf32>,
        %parallel_loop3A_138 = arith.constant 10 : i32
        %parallel_loop3A_139 = vector.broadcast %parallel_loop3A_138 : i32 to vector<16xi32>
        %parallel_loop3A_140 = arith.addi %parallel_loop3A_63, %parallel_loop3A_139 : vector<16xi32>
        tpu.vector_store_idx %arg9[%parallel_loop3A_140], %parallel_loop3A_137 : memref<40960xf32, #tpu.memory_space<vmem>>[vector<16xi32>], vector<16xf32>,
        %parallel_loop3A_141 = arith.constant 11 : i32
        %parallel_loop3A_142 = vector.broadcast %parallel_loop3A_141 : i32 to vector<16xi32>
        %parallel_loop3A_143 = arith.addi %parallel_loop3A_59, %parallel_loop3A_142 : vector<16xi32>
        %parallel_loop3A_144 = tpu.vector_load_idx %arg5[%parallel_loop3A_143] : memref<460xf32, #tpu.memory_space<vmem>>[vector<16xi32>], vector<16xf32>,
        %parallel_loop3A_145 = arith.constant 11 : i32
        %parallel_loop3A_146 = vector.broadcast %parallel_loop3A_145 : i32 to vector<16xi32>
        %parallel_loop3A_147 = arith.addi %parallel_loop3A_63, %parallel_loop3A_146 : vector<16xi32>
        tpu.vector_store_idx %arg9[%parallel_loop3A_147], %parallel_loop3A_144 : memref<40960xf32, #tpu.memory_space<vmem>>[vector<16xi32>], vector<16xf32>,
        %parallel_loop3A_148 = arith.constant 12 : i32
        %parallel_loop3A_149 = vector.broadcast %parallel_loop3A_148 : i32 to vector<16xi32>
        %parallel_loop3A_150 = arith.addi %parallel_loop3A_59, %parallel_loop3A_149 : vector<16xi32>
        %parallel_loop3A_151 = tpu.vector_load_idx %arg5[%parallel_loop3A_150] : memref<460xf32, #tpu.memory_space<vmem>>[vector<16xi32>], vector<16xf32>,
        %parallel_loop3A_152 = arith.constant 12 : i32
        %parallel_loop3A_153 = vector.broadcast %parallel_loop3A_152 : i32 to vector<16xi32>
        %parallel_loop3A_154 = arith.addi %parallel_loop3A_63, %parallel_loop3A_153 : vector<16xi32>
        tpu.vector_store_idx %arg9[%parallel_loop3A_154], %parallel_loop3A_151 : memref<40960xf32, #tpu.memory_space<vmem>>[vector<16xi32>], vector<16xf32>,
        %parallel_loop3A_155 = arith.constant 13 : i32
        %parallel_loop3A_156 = vector.broadcast %parallel_loop3A_155 : i32 to vector<16xi32>
        %parallel_loop3A_157 = arith.addi %parallel_loop3A_59, %parallel_loop3A_156 : vector<16xi32>
        %parallel_loop3A_158 = tpu.vector_load_idx %arg5[%parallel_loop3A_157] : memref<460xf32, #tpu.memory_space<vmem>>[vector<16xi32>], vector<16xf32>,
        %parallel_loop3A_159 = arith.constant 13 : i32
        %parallel_loop3A_160 = vector.broadcast %parallel_loop3A_159 : i32 to vector<16xi32>
        %parallel_loop3A_161 = arith.addi %parallel_loop3A_63, %parallel_loop3A_160 : vector<16xi32>
        tpu.vector_store_idx %arg9[%parallel_loop3A_161], %parallel_loop3A_158 : memref<40960xf32, #tpu.memory_space<vmem>>[vector<16xi32>], vector<16xf32>,
        %parallel_loop3A_162 = arith.constant 14 : i32
        %parallel_loop3A_163 = vector.broadcast %parallel_loop3A_162 : i32 to vector<16xi32>
        %parallel_loop3A_164 = arith.addi %parallel_loop3A_59, %parallel_loop3A_163 : vector<16xi32>
        %parallel_loop3A_165 = tpu.vector_load_idx %arg5[%parallel_loop3A_164] : memref<460xf32, #tpu.memory_space<vmem>>[vector<16xi32>], vector<16xf32>,
        %parallel_loop3A_166 = arith.constant 14 : i32
        %parallel_loop3A_167 = vector.broadcast %parallel_loop3A_166 : i32 to vector<16xi32>
        %parallel_loop3A_168 = arith.addi %parallel_loop3A_63, %parallel_loop3A_167 : vector<16xi32>
        tpu.vector_store_idx %arg9[%parallel_loop3A_168], %parallel_loop3A_165 : memref<40960xf32, #tpu.memory_space<vmem>>[vector<16xi32>], vector<16xf32>,
        %parallel_loop3A_169 = arith.constant 15 : i32
        %parallel_loop3A_170 = vector.broadcast %parallel_loop3A_169 : i32 to vector<16xi32>
        %parallel_loop3A_171 = arith.addi %parallel_loop3A_59, %parallel_loop3A_170 : vector<16xi32>
        %parallel_loop3A_172 = tpu.vector_load_idx %arg5[%parallel_loop3A_171] : memref<460xf32, #tpu.memory_space<vmem>>[vector<16xi32>], vector<16xf32>,
        %parallel_loop3A_173 = arith.constant 15 : i32
        %parallel_loop3A_174 = vector.broadcast %parallel_loop3A_173 : i32 to vector<16xi32>
        %parallel_loop3A_175 = arith.addi %parallel_loop3A_63, %parallel_loop3A_174 : vector<16xi32>
        tpu.vector_store_idx %arg9[%parallel_loop3A_175], %parallel_loop3A_172 : memref<40960xf32, #tpu.memory_space<vmem>>[vector<16xi32>], vector<16xf32>,
        %parallel_loop3A_176 = arith.constant 16 : i32
        %parallel_loop3A_177 = vector.broadcast %parallel_loop3A_176 : i32 to vector<16xi32>
        %parallel_loop3A_178 = arith.addi %parallel_loop3A_59, %parallel_loop3A_177 : vector<16xi32>
        %parallel_loop3A_179 = tpu.vector_load_idx %arg5[%parallel_loop3A_178] : memref<460xf32, #tpu.memory_space<vmem>>[vector<16xi32>], vector<16xf32>,
        %parallel_loop3A_180 = arith.constant 16 : i32
        %parallel_loop3A_181 = vector.broadcast %parallel_loop3A_180 : i32 to vector<16xi32>
        %parallel_loop3A_182 = arith.addi %parallel_loop3A_63, %parallel_loop3A_181 : vector<16xi32>
        tpu.vector_store_idx %arg9[%parallel_loop3A_182], %parallel_loop3A_179 : memref<40960xf32, #tpu.memory_space<vmem>>[vector<16xi32>], vector<16xf32>,
        %parallel_loop3A_183 = arith.constant 17 : i32
        %parallel_loop3A_184 = vector.broadcast %parallel_loop3A_183 : i32 to vector<16xi32>
        %parallel_loop3A_185 = arith.addi %parallel_loop3A_59, %parallel_loop3A_184 : vector<16xi32>
        %parallel_loop3A_186 = tpu.vector_load_idx %arg5[%parallel_loop3A_185] : memref<460xf32, #tpu.memory_space<vmem>>[vector<16xi32>], vector<16xf32>,
        %parallel_loop3A_187 = arith.constant 17 : i32
        %parallel_loop3A_188 = vector.broadcast %parallel_loop3A_187 : i32 to vector<16xi32>
        %parallel_loop3A_189 = arith.addi %parallel_loop3A_63, %parallel_loop3A_188 : vector<16xi32>
        tpu.vector_store_idx %arg9[%parallel_loop3A_189], %parallel_loop3A_186 : memref<40960xf32, #tpu.memory_space<vmem>>[vector<16xi32>], vector<16xf32>,
        %parallel_loop3A_190 = arith.constant 18 : i32
        %parallel_loop3A_191 = vector.broadcast %parallel_loop3A_190 : i32 to vector<16xi32>
        %parallel_loop3A_192 = arith.addi %parallel_loop3A_59, %parallel_loop3A_191 : vector<16xi32>
        %parallel_loop3A_193 = tpu.vector_load_idx %arg5[%parallel_loop3A_192] : memref<460xf32, #tpu.memory_space<vmem>>[vector<16xi32>], vector<16xf32>,
        %parallel_loop3A_194 = arith.constant 18 : i32
        %parallel_loop3A_195 = vector.broadcast %parallel_loop3A_194 : i32 to vector<16xi32>
        %parallel_loop3A_196 = arith.addi %parallel_loop3A_63, %parallel_loop3A_195 : vector<16xi32>
        tpu.vector_store_idx %arg9[%parallel_loop3A_196], %parallel_loop3A_193 : memref<40960xf32, #tpu.memory_space<vmem>>[vector<16xi32>], vector<16xf32>,
        %parallel_loop3A_197 = arith.constant 19 : i32
        %parallel_loop3A_198 = vector.broadcast %parallel_loop3A_197 : i32 to vector<16xi32>
        %parallel_loop3A_199 = arith.addi %parallel_loop3A_59, %parallel_loop3A_198 : vector<16xi32>
        %parallel_loop3A_200 = tpu.vector_load_idx %arg5[%parallel_loop3A_199] : memref<460xf32, #tpu.memory_space<vmem>>[vector<16xi32>], vector<16xf32>,
        %parallel_loop3A_201 = arith.constant 19 : i32
        %parallel_loop3A_202 = vector.broadcast %parallel_loop3A_201 : i32 to vector<16xi32>
        %parallel_loop3A_203 = arith.addi %parallel_loop3A_63, %parallel_loop3A_202 : vector<16xi32>
        tpu.vector_store_idx %arg9[%parallel_loop3A_203], %parallel_loop3A_200 : memref<40960xf32, #tpu.memory_space<vmem>>[vector<16xi32>], vector<16xf32>,
      } {sc.loop_unroll_factor = 4 : i64, sc.parallel_access}
      %mul3A_48 = arith.constant 20 : i32
      %mul3A_49 = arith.muli %add3A_39, %mul3A_48 : i32
      %dma_start3A_50 = tpu.memref_slice %arg4[%mul3A_49] : memref<65536000xf32, #tpu.memory_space<hbm>> -> memref<40960xf32, #tpu.memory_space<hbm>>
      %dma_start3A_51 = tpu.memref_slice %arg4[%mul3A_49] : memref<65536000xf32, #tpu.memory_space<hbm>> -> memref<40960xf32, #tpu.memory_space<hbm>>
      tpu.enqueue_dma source(%arg9 : memref<40960xf32, #tpu.memory_space<vmem>>) target(%dma_start3A_51 : memref<40960xf32, #tpu.memory_space<hbm>>) target_semaphore(%arg11 : memref<!tpu.dma_semaphore, #tpu.memory_space<semaphore_mem>>)
    }
    %scan3A_10 = arith.constant 25 : i32
    %dma_wait3A = arith.constant 0 : i32
    %dma_wait3A_11 = tpu.memref_slice %arg4[%dma_wait3A] : memref<65536000xf32, #tpu.memory_space<hbm>> -> memref<40960xf32, #tpu.memory_space<hbm>>
    %dma_wait3A_12 = arith.constant 0 : i32
    %dma_wait3A_13 = tpu.memref_slice %arg4[%dma_wait3A_12] : memref<65536000xf32, #tpu.memory_space<hbm>> -> memref<40960xf32, #tpu.memory_space<hbm>>
    tpu.wait_dma2 semaphore(%arg10 : memref<!tpu.dma_semaphore, #tpu.memory_space<semaphore_mem>>) src(%arg8 : memref<40960xf32, #tpu.memory_space<vmem>>) dst(%dma_wait3A_13 : memref<40960xf32, #tpu.memory_space<hbm>>)
    %dma_wait3A_14 = arith.constant 0 : i32
    %dma_wait3A_15 = tpu.memref_slice %arg4[%dma_wait3A_14] : memref<65536000xf32, #tpu.memory_space<hbm>> -> memref<40960xf32, #tpu.memory_space<hbm>>
    %dma_wait3A_16 = arith.constant 0 : i32
    %dma_wait3A_17 = tpu.memref_slice %arg4[%dma_wait3A_16] : memref<65536000xf32, #tpu.memory_space<hbm>> -> memref<40960xf32, #tpu.memory_space<hbm>>
    tpu.wait_dma2 semaphore(%arg11 : memref<!tpu.dma_semaphore, #tpu.memory_space<semaphore_mem>>) src(%arg9 : memref<40960xf32, #tpu.memory_space<vmem>>) dst(%dma_wait3A_17 : memref<40960xf32, #tpu.memory_space<hbm>>)
    return
  }
}

</mosaic_0001>

<sc_bundles>
// kernel: _sc_gather.3.cloned.1.call-start
scs
__scs_entry_jumppad:
0x0: {  	(pc) =	sbr.rel $0x88, $3  }
0x1: {  	(tag) =	ssettag $0x0;
	lr =	simm.s32 $0x1  }
0x2: {  	[smem:$0x3F9F] =	sst lr;
	_ =	strace $0xD0000000  }
0x3: {  	_ = 	snop  }
0x4: {  	_ = 	snop  }
0x5: {  	_ = 	snop  }
0x6: {  	_ = 	snop  }
0x7: {  	_ = 	snop  }
__scs_overlays_trampoline_lowered:
0x8: {  	[smem:$0x3FAE] =	sst s0  }
0x9: {  	[smem:$0x3FAF] =	sst s1  }
0xa: {  	[smem:$0x3FB0] =	sst s2  }
0xb: {  	[smem:$0x3FB1] =	sst s3  }
0xc: {  	[smem:$0x3FB2] =	sst s4  }
0xd: {  	[smem:$0x3FB3] =	sst s5  }
0xe: {  	[smem:$0x3FB4] =	sst s6  }
0xf: {  	[smem:$0x3FB5] =	sst s7  }
0x10: {  	[smem:$0x3FB6] =	sst s8  }
0x11: {  	[smem:$0x3FB7] =	sst s9;
	s0 =	simm.s32 @!p0 $0x0  }
0x12: {  	s1 =	sld [smem:$0x3F9D];
	s0 =	simm.s32 @p0 $0x1  }
0x13: {  	[smem:$0x3FB8] =	sst s0;
	s0 =	simm.s32 @!p1 $0x0  }
0x14: {  	s2 =	sld [smem:$0x3F9C];
	s0 =	simm.s32 @p1 $0x1  }
0x15: {  	[smem:$0x3FB9] =	sst s0;
	s0 =	simm.s32 @!p2 $0x0  }
0x16: {  	s3 =	sld [smem:$0x3FDB];
	s0 =	simm.s32 @p2 $0x1  }
0x17: {  	s4 =	simm.s32 $0x1BF5;
	[smem:$0x3FBB] =	sst s0  }
0x18: {  	s0 =	sld [smem:$0x3F9E];
	_ =	swait.ge [sflag:s4], $0x0  }
0x19: {  	s7 =	sld [smem:$0x3F9F]  }
0x1a: {  	s8 =	sadd.s32 $0xFFFFE003, lr  }
0x1b: {  	s9 =	sadd.s32 $0xFFFFFEF7, lr;
	s5 =	simm.s32 $0xFFFFFFFF;
	p2 =	slt.u32 s8, $0xFFFFF086  }
0x1c: {  	p1 =	slt.u32 s9, $0xF7A;
	s5 =	simm.s32 @!p2 $0x0  }
0x1d: {  	s5 =	simm.s32 @p1 $0x1;
	p0 =	seq.s32 s7, s2  }
0x1e: {  	s7 =	smul.u32 @!p0 $0xF7A, s2;
	p2 =	seq.s32 @!p0 s5, $0x0  }
0x1f: {  	s9 =	smul.u32 $0xF7A, s1;
	s8 =	simm.s32 @!p0 $0x1BF5;
	p2 =	por !p2, p0  }
0x20: {  	[sflag:s8] =	ssyncset.s32 @!p0 $0xFFFFF086;
	s6 =	sadd.s32 @!p0 s3, s7;
	s7 =	simm.s32 @!p0 $0x108  }
0x21: {  	s3 =	sadd.s32 s3, s9;
	s6 =	sadd.s32 @!p0 $0x88, s6;
	s7 =	simm.s32 @p2 $0x1082  }
0x22: {  	[simem:s7], [sflag:s8] =	dma.local @!p0 [hbm:s6], $0xF7A  }
0x23: {  	s9 =	sor.u32 $0xD0000000, s2;
	s6 =	simm.s32 $0x108;
	_ =	swait.ge @!p0 [sflag:s8], $0x0  }
0x24: {  	s3 =	sadd.s32 $0x88, s3;
	s6 =	simm.s32 @!p1 $0x1082;
	[sflag:s4] =	ssyncset.s32 $0xFFFFF086  }
0x25: {  	[simem:s6], [sflag:s4] =	dma.local [hbm:s3], $0xF7A  }
0x26: {  	[smem:$0x3F9F] =	sst s1;
	(tag) =	ssettag s2;
	_ =	strace s9  }
0x27: {  	s1 =	sld [smem:$0x3FAF]  }
0x28: {  	s2 =	sld [smem:$0x3FB0]  }
0x29: {  	s4 =	sld [smem:$0x3FB2]  }
0x2a: {  	p0 =	seq.s32 s5, $0x0;
	s5 =	sld [smem:$0x3FB3]  }
0x2b: {  	s6 =	sld [smem:$0x3FB4]  }
0x2c: {  	s7 =	sld [smem:$0x3FB5]  }
0x2d: {  	s3 =	simm.s32 $0x108;
	s8 =	sld [smem:$0x3FB6]  }
0x2e: {  	s3 =	simm.s32 @!p0 $0x1082;
	s9 =	sld [smem:$0x3FB7]  }
0x2f: {  	lr =	sadd.s32 s0, s3;
	s0 =	sld [smem:$0x3FAE]  }
0x30: {  	s3 =	sld [smem:$0x3FB1]  }
0x31: {  	[smem:$0x3FBA] =	sst s10  }
0x32: {  	s10 =	sld [smem:$0x3FB8];
	_ =	sdelay $0x3  }
0x33: {  	p0 =	seq.s32 s10, $0x1;
	s10 =	sld [smem:$0x3FBA];
	_ =	sdelay $0x3  }
0x34: {  	[smem:$0x3FBA] =	sst s10  }
0x35: {  	s10 =	sld [smem:$0x3FB9];
	_ =	sdelay $0x3  }
0x36: {  	p1 =	seq.s32 s10, $0x1;
	s10 =	sld [smem:$0x3FBA];
	_ =	sdelay $0x3  }
0x37: {  	[smem:$0x3FBA] =	sst s10  }
0x38: {  	s10 =	sld [smem:$0x3FBB]  }
0x39: {  	_ = 	snop;
	(pc) =	sbr.ind lr, $3  }
0x3a: {  	_ = 	snop  }
0x3b: {  	_ = 	snop  }
0x3c: {  	p2 =	seq.s32 s10, $0x1;
	s10 =	sld [smem:$0x3FBA]  }
0x3d: {  	_ =	shalt  }
0x3e: {  	_ =	shalt  }
0x3f: {  	_ =	shalt  }
0x40: {  	_ =	shalt  }
0x41: {  	_ =	shalt  }
0x42: {  	_ =	shalt  }
0x43: {  	_ =	shalt  }
0x44: {  	_ =	shalt  }
0x45: {  	_ =	shalt  }
0x46: {  	_ =	shalt  }
0x47: {  	_ =	shalt  }
0x48: {  	_ =	shalt  }
0x49: {  	_ =	shalt  }
0x4a: {  	_ =	shalt  }
0x4b: {  	_ =	shalt  }
0x4c: {  	_ =	shalt  }
0x4d: {  	_ =	shalt  }
0x4e: {  	_ =	shalt  }
0x4f: {  	_ =	shalt  }
0x50: {  	_ =	shalt  }
0x51: {  	_ =	shalt  }
0x52: {  	_ =	shalt  }
0x53: {  	_ =	shalt  }
0x54: {  	_ =	shalt  }
0x55: {  	_ =	shalt  }
0x56: {  	_ =	shalt  }
0x57: {  	_ =	shalt  }
0x58: {  	_ =	shalt  }
0x59: {  	_ =	shalt  }
0x5a: {  	_ =	shalt  }
0x5b: {  	_ =	shalt  }
0x5c: {  	_ =	shalt  }
0x5d: {  	_ =	shalt  }
0x5e: {  	_ =	shalt  }
0x5f: {  	_ =	shalt  }
0x60: {  	_ =	shalt  }
0x61: {  	_ =	shalt  }
0x62: {  	_ =	shalt  }
0x63: {  	_ =	shalt  }
0x64: {  	_ =	shalt  }
0x65: {  	_ =	shalt  }
0x66: {  	_ =	shalt  }
0x67: {  	_ =	shalt  }
0x68: {  	_ =	shalt  }
0x69: {  	_ =	shalt  }
0x6a: {  	_ =	shalt  }
0x6b: {  	_ =	shalt  }
0x6c: {  	_ =	shalt  }
0x6d: {  	_ =	shalt  }
0x6e: {  	_ =	shalt  }
0x6f: {  	_ =	shalt  }
0x70: {  	_ =	shalt  }
0x71: {  	_ =	shalt  }
0x72: {  	_ =	shalt  }
0x73: {  	_ =	shalt  }
0x74: {  	_ =	shalt  }
0x75: {  	_ =	shalt  }
0x76: {  	_ =	shalt  }
0x77: {  	_ =	shalt  }
0x78: {  	_ =	shalt  }
0x79: {  	_ =	shalt  }
0x7a: {  	_ =	shalt  }
0x7b: {  	_ =	shalt  }
0x7c: {  	_ =	shalt  }
0x7d: {  	_ =	shalt  }
0x7e: {  	_ =	shalt  }
0x7f: {  	_ =	shalt  }
0x80: {  	_ =	shalt  }
0x81: {  	_ =	shalt  }
0x82: {  	_ =	shalt  }
0x83: {  	_ =	shalt  }
0x84: {  	_ =	shalt  }
0x85: {  	_ =	shalt  }
0x86: {  	_ =	shalt  }
0x87: {  	_ =	shalt  }
.Lfunc_end0:
.L_simem_size_0:
called_computation_lowered:
.L_overlay_start_0:
0x88: {  	s2 =	sld [smem:$0x3FD9]  }
0x89: {  	s3 =	sld [smem:$0x3FFE];
	_ =	sdelay $0x1  }
0x8a: {  	s1 =	srdreg.scid  }
0x8b: {  	s0 =	sand.u32 $0x1, s1  }
0x8c: {  	s18 =	sshll.u32 s0, $0xA;
	s2 =	sadd.s32 s3, s2  }
0x8d: {  	s2 =	sadd.s32 s2, s18  }
0x8e: {  	[smem:$0x3FC6] =	sst s2  }
0x8f: {  	_ = 	snop  }
0x90: {  	s2 =	sld [smem:$0x3FC9]  }
0x91: {  	s19 =	sld [smem:$0x3FC8]  }
0x92: {  	s4 =	sld [smem:$0x3FD0];
	(tm) =	ssettm $0x1  }
0x93: {  	s5 =	sld [smem:$0x3FFB];
	_ =	sdelay $0x3  }
0x94: {  	_ =	strace s5  }
0x95: {  	s5 =	sld [smem:$0x3FFC];
	_ =	sdelay $0x3  }
0x96: {  	_ =	strace s5  }
0x97: {  	s5 =	sld [smem:$0x3FFD];
	_ =	sdelay $0x3  }
0x98: {  	_ =	strace s5  }
0x99: {  	_ =	strace $0x8FFFFFFF  }
0x9a: {  	s20 =	sld [smem:$0x3FDB];
	_ =	sdelay $0x1  }
0x9b: {  	s6 =	simm.s32 $_scs_section_size  }
0x9c: {  	s7 =	simm.s32 $_size__tile_overlayer_lowered;
	s8 =	simm.s32 $_tile_overlayer_lowered  }
0x9d: {  	s23 =	simm.s32 $0x1BFF;
	s22 =	sshll.u32 s8, $0x1;
	s5 =	sadd.s32 s6, s20  }
0x9e: {  	s9 =	simm.s32 $0x0;
	s21 =	sshll.u32 s7, $0x1;
	s7 =	sadd.s32 s22, s5  }
0x9f: {  	[timem:s9], [sflag:s23] =	dma.local [hbm:s7], s21  }
0xa0: {  	_ =	swait.ge [sflag:s23], s21  }
0xa1: {  	s6 =	ssub.s32 $0x0, s21;
	[sflag:s23] =	ssyncset.done $0x0  }
0xa2: {  	[sflag:s23] =	ssyncadd.s32 s6;
	_ =	sdelay $0x1  }
0xa3: {  	s24 =	simm.s32 $0x1B8B  }
0xa4: {  	_ =	swait.ge [sflag:s24], $0x1  }
0xa5: {  	[sflag:s24] =	ssyncset.done $0x0  }
0xa6: {  	s25 =	simm.s32 $0x1B8E;
	[sflag:s24] =	ssyncadd.s32 $0xFFFFFFFF  }
0xa7: {  	s26 =	simm.s32 $execute0_lowered;
	[smem:$0x3FD2] =	sst s25  }
0xa8: {  	s6 =	sshll.u32 s26, $0x1;
	_ =	strace $0x80000046;
	[dreg:$0x1] =	wrdreg $0xFFFFFFFF  }
0xa9: {  	s28 =	simm.s32 $_size_execute0_lowered;
	s5 =	sadd.s32 s5, s6;
	[dreg:$0x0] =	wrdreg $0x0  }
0xaa: {  	s6 =	sshll.u32 s28, $0x1;
	[dreg:$0x2] =	wrdreg s5  }
0xab: {  	[dreg:$0x3] =	wrdreg s6  }
0xac: {  	[dreg:$0x4] =	wrdreg $0xC0  }
0xad: {  	_ =	task [dreg:s9], $0x5FFFF  }
0xae: {  	[dreg:$0x1] =	wrdreg $0xFFFFFFFF  }
0xaf: {  	[dreg:$0x0] =	wrdreg $0x60  }
0xb0: {  	[dreg:$0x2] =	wrdreg s2  }
0xb1: {  	[dreg:$0x3] =	wrdreg s19  }
0xb2: {  	[dreg:$0x4] =	wrdreg s4  }
0xb3: {  	[dreg:$0x5] =	wrdreg $0x9  }
0xb4: {  	_ =	task.clear_ibuf [dreg:s9], $0x6FFFF;
	_ =	strace $0x90000046  }
0xb5: {  	s29 =	simm.s32 $0x9;
	_ =	strace $0x80000048  }
0xb6: {  	_ =	swait.ge [sflag:s29], $0x1  }
0xb7: {  	[sflag:s29] =	ssyncadd.s32 $0xFFFFFFFF  }
0xb8: {  	_ =	strace $0x90000048  }
0xb9: {  	_ =	sfence  }
0xba: {  	s30 =	sld [smem:$0x0];
	_ =	sdelay $0x2  }
0xbb: {  	s31 =	sshll.u32 s1, $0xD;
	s1 =	sshrl.u32 s1, $0x2  }
0xbc: {  	s3 =	sand.u32 $0x4000, s31;
	s1 =	sadd.s32 s1, s30  }
0xbd: {  	s0 =	sor.u32 s3, s0;
	s1 =	sshll.u32 s1, $0x11  }
0xbe: {  	s0 =	sor.u32 s1, s0  }
0xbf: {  	s0 =	sadd.s32 $0x8F2B, s0  }
0xc0: {  	[sflag:s0] =	ssyncadd.remote.s32 $0x1  }
0xc1: {  	_ =	sfence.sel $0xFFFF  }
0xc2: {  	[dreg:$0x0] =	wrdreg $0xFFFFFFFF;
	(pc) =	sbr.abs _section_cstart, $3  }
0xc3: {  	[dreg:$0x1] =	wrdreg $0xFFFFFFFF  }
0xc4: {  	_ =	task.clear_ibuf [dreg:s9], $0x2FFFF;
	_ =	strace $0x9FFFFFFF  }
0xc5: {  	(tm) =	ssettm $0x7FFFFFFF  }
tec
execute0_lowered:
.L_overlay_start_1:
0x0: {  	(tag) =	ssettag $0x1  }
0x1: {  	v0 =	vlaneseq.u32  }
0x2: {  	v4 =	vmul.u32 $0x14, v0;
	_ =	sdelay $0x1  }
0x3: {  	v2 =	vand.u32 $0x1, v0;
	v0 =	vor.u32 $0x1, v4  }
0x4: {  	v1 =	vmul.u32 $0x4, v2;
	[tilespmem:$0x1FE80] =	vst v0;
	v0 =	vmul.u32 $0xFFFFFFFC, v2;
	v2 =	vor.u32 $0x2, v4  }
0x5: {  	[tilespmem:$0x1FE90] =	vst v2;
	v2 =	vor.u32 $0x3, v4  }
0x6: {  	[tilespmem:$0x1FEA0] =	vst v2;
	v2 =	vadd.s32 $0x4, v4  }
0x7: {  	s0 =	rddreg [dreg:$0x0];
	[tilespmem:$0x1FEB0] =	vst v2;
	v2 =	vadd.s32 $0x4, v0  }
0x8: {  	s1 =	rddreg [dreg:$0x1];
	[tilespmem:$0x1FEC0] =	vst v2;
	v2 =	vadd.s32 $0x5, v4  }
0x9: {  	s3 =	rddreg [dreg:$0x2];
	s4 =	simm.s32 $0x0;
	[tilespmem:$0x1FED0] =	vst v2;
	v2 =	vadd.s32 $0x5, v0  }
0xa: {  	[smem:$0x7FF] =	sst s4;
	[tilespmem:$0x1FEE0] =	vst v2  }
0xb: {  	s2 =	rddreg [dreg:$0x3];
	v19 =	vadd.s32 $0x6, v0;
	v21 =	vadd.s32 $0x7, v0;
	v0 =	vadd.s32 $0x13, v4;
	_ =	strace $0x80000047;
	[tilespmem:$0x1FEF0] =	vst v4  }
0xc: {  	v34 =	vadd.s32 $0xF, v4;
	[tilespmem:$0x1FF00] =	vst v0  }
0xd: {  	v36 =	vadd.s32 $0x10, v4;
	[tilespmem:$0x1FF10] =	vst v34  }
0xe: {  	v38 =	vadd.s32 $0x11, v4;
	[tilespmem:$0x1FF20] =	vst v36  }
0xf: {  	[tilespmem:$0x1FF30] =	vst v38  }
0x10: {  	v40 =	vadd.s32 $0x12, v4;
	[tilespmem:$0x1FF40] =	vst v19  }
0x11: {  	v54 =	vadd.s32 $0xC, v4;
	[tilespmem:$0x1FF50] =	vst v40  }
0x12: {  	[tilespmem:$0x1FF60] =	vst v54  }
0x13: {  	v25 =	vadd.s32 $0xE, v4;
	[tilespmem:$0x1FF70] =	vst v21  }
0x14: {  	v59 =	vadd.s32 $0xD, v4;
	[tilespmem:$0x1FF80] =	vst v25  }
0x15: {  	v57 =	vadd.s32 $0xA, v4;
	[tilespmem:$0x1FF90] =	vst v59  }
0x16: {  	s5 =	srdreg.scid;
	s9 =	simm.s32 $0x1D0;
	s10 =	simm.s32 $0x11D0;
	v58 =	vadd.s32 $0xB, v4;
	[tilespmem:$0x1FFA0] =	vst v57  }
0x17: {  	s11 =	simm.s32 $0x9D0;
	s12 =	simm.s32 $0xB1D0;
	s6 =	sand.u32 $0x1, s5;
	v22 =	vadd.s32 $0x8, v4;
	[tilespmem:$0x1FFB0] =	vst v58  }
0x18: {  	s13 =	simm.s32 $0x1;
	s14 =	simm.s32 $0x2;
	s7 =	ssub.s32 $0x2, s6;
	v23 =	vadd.s32 $0x9, v4;
	[tilespmem:$0x1FFC0] =	vst v22  }
0x19: {  	s5 =	stileid.u32;
	s6 =	sshll.u32 s6, $0x4;
	s8 =	sshrl.u32 s7, $0x1;
	v20 =	vadd.s32 $0x7, v4;
	[tilespmem:$0x1FFD0] =	vst v23  }
0x1a: {  	s15 =	simm.s32 $0x0;
	v18 =	vadd.s32 $0x6, v4;
	s6 =	sor.u32 s5, s6;
	s7 =	ssub.s32 s7, s8;
	[tilespmem:$0x1FFE0] =	vst v20  }
0x1b: {  	v3 =	vor.u32 $0x1, v1;
	v5 =	vor.u32 $0x2, v1;
	v7 =	vor.u32 $0x3, v1;
	s6 =	smul.u32 $0x19000, s6;
	s8 =	simm.s32 $0x3;
	s7 =	smax.u32 s7, $0x1;
	[tilespmem:$0x1FFF0] =	vst v18  }
.LBB2_1:
0x1c: {  	[tilespmem:s4], [sflag:$0x3] =	stream.linear.gather [hbm4b:s0+s4], $0x1D0, $0x38;
	[tilespmem:$0x151D0] =	vst v63  }
0x1d: {  	_ =	swait.ge [sflag:s8], $0x1D0  }
0x1e: {  	[sflag:s8] =	ssyncset.done $0x0  }
0x1f: {  	s16 =	simm.s32 $0x0;
	[sflag:s8] =	ssyncadd.s32 $0xFFFFFE30  }
.LBB2_2:
0x20: {  	p0 =	seq.s32 s16, $0x0  }
0x21: {  	s17 =	sshll.u32 s16, $0xC;
	s19 =	simm.s32 @!p0 $0x1  }
0x22: {  	s18 =	sadd.s32 s6, s17;
	_ =	swait.ge @!p0 [sflag:s19], $0xA000  }
0x23: {  	s20 =	sshrl.u32 s18, $0x3;
	[sflag:s19] =	ssyncset.done @!p0 $0x0  }
0x24: {  	s20 =	sadd.s32 s1, s20;
	[sflag:s19] =	ssyncadd.s32 @!p0 $0xFFFF6000;
	s19 =	simm.s32 $0x0  }
0x25: {  	[tilespmem:s9], [sflag:$0x3] =	stream.linear.gather [hbm4b:s20+s19], $0x800, $0x38;
	[tilespmem:$0x151D0] =	vst v63  }
0x26: {  	_ =	swait.ge [sflag:s8], $0x800  }
0x27: {  	[sflag:s8] =	ssyncset.done $0x0  }
0x28: {  	s31 =	simm.s32 $0x1F0;
	v24 =	vld [tilespmem:$0x1FE80];
	[sflag:s8] =	ssyncadd.s32 $0xFFFFF800  }
0x29: {  	v6 =	vld [tilespmem:s31+$0xFFFFFFE0]  }
0x2a: {  	v0 =	vld [tilespmem:s31+$0x10]  }
0x2b: {  	v2 =	vld [tilespmem:s31+$0xFFFFFFF0]  }
0x2c: {  	v4 =	vld [tilespmem:s31+$0x0]  }
0x2d: {  	v13 =	vmov v19;
	v19 =	vld [tilespmem:$0x1FE90]  }
0x2e: {  	v31 =	vmul.u32 $0x14, v6;
	v6 =	vld [tilespmem:$0x1FEF0]  }
0x2f: {  	v15 =	vmul.u32 $0x14, v0  }
0x30: {  	s22 =	simm.s32 $0x140;
	s21 =	simm.s32 $0x280;
	v30 =	vmul.u32 $0x14, v2  }
0x31: {  	s20 =	simm.s32 $0x3C0;
	v16 =	vadd.s32 s22, v24;
	v17 =	vadd.s32 s21, v24;
	v29 =	vmul.u32 $0x14, v4  }
0x32: {  	v32 =	vadd.s32 s19, v24;
	v33 =	vadd.s32 s20, v24;
	v47 =	vadd.s32 s22, v19  }
0x33: {  	v42 =	vadd.s32 s19, v19;
	v43 =	vadd.s32 s21, v19;
	v4 =	vadd.s32 s20, v6  }
0x34: {  	v0 =	vadd.s32 s19, v6;
	v2 =	vadd.s32 s22, v6;
	v4 =	vand.u32 $0x1FFF8, v4  }
0x35: {  	v6 =	vadd.s32 s21, v6;
	v2 =	vand.u32 $0x1FFF8, v2;
	v61 =	vld.idx.msk [tilespmem:v15+s4+$0x0], $0xffff;
	v4 =	vor.u32 v1, v4  }
0x36: {  	v8 =	vor.u32 $0x1, v15;
	v6 =	vand.u32 $0x1FFF8, v6;
	v62 =	vld.idx.msk [tilespmem:v30+s4+$0x0], $0xffff;
	v2 =	vor.u32 v1, v2  }
0x37: {  	v16 =	vand.u32 $0x1FFF8, v16;
	v12 =	vor.u32 $0x1, v30;
	v63 =	vld.idx.msk [tilespmem:v29+s4+$0x0], $0xffff;
	v6 =	vor.u32 v1, v6  }
0x38: {  	v17 =	vand.u32 $0x1FFF8, v17;
	v33 =	vand.u32 $0x1FFF8, v33;
	v32 =	vand.u32 $0x1FFF8, v32  }
0x39: {  	v28 =	vmovc v40;
	v40 =	vand.u32 $0x1FFF8, v47;
	v16 =	vor.u32 v3, v16;
	v14 =	vor.u32 $0x1, v29  }
0x3a: {  	v48 =	vand.u32 $0x1FFF8, v42;
	v33 =	vor.u32 v3, v33;
	v0 =	vand.u32 $0x1FFF8, v0;
	v44 =	vld.idx.msk [tilespmem:v31+s4+$0x0], $0xffff;
	[tilespmem:v4+s10+$0x0] =	vst.idx.msk $0xffff, v61  }
0x3b: {  	v17 =	vor.u32 v3, v17;
	v0 =	vor.u32 v1, v0;
	[tilespmem:v2+s10+$0x0] =	vst.idx.msk $0xffff, v62;
	v8 =	vld.idx.msk [tilespmem:v8+s4+$0x0], $0xffff  }
0x3c: {  	v49 =	vand.u32 $0x1FFF8, v43;
	v32 =	vor.u32 v3, v32;
	v10 =	vor.u32 $0x1, v31;
	[tilespmem:v6+s10+$0x0] =	vst.idx.msk $0xffff, v63;
	v12 =	vld.idx.msk [tilespmem:v12+s4+$0x0], $0xffff  }
0x3d: {  	v40 =	vor.u32 v5, v40;
	v37 =	vor.u32 $0x2, v15;
	v4 =	vadd.s32 s20, v19;
	v19 =	vld [tilespmem:$0x1FEA0]  }
0x3e: {  	v24 =	vmovc v34;
	v50 =	vor.u32 v5, v49;
	v34 =	vor.u32 v5, v48;
	v39 =	vor.u32 $0x2, v30;
	v14 =	vld.idx.msk [tilespmem:v14+s4+$0x0], $0xffff  }
0x3f: {  	v35 =	vor.u32 $0x2, v31;
	v41 =	vor.u32 $0x2, v29;
	v43 =	vor.u32 $0x3, v31  }
0x40: {  	v26 =	vmovc v38;
	v38 =	vor.u32 $0x3, v29;
	v47 =	vadd.s32 $0x6, v29;
	v42 =	vadd.s32 $0x7, v29;
	[tilespmem:v0+s10+$0x0] =	vst.idx.msk $0xffff, v44  }
0x41: {  	v6 =	vor.u32 $0x3, v15;
	v61 =	vadd.s32 $0x4, v15;
	v4 =	vand.u32 $0x1FFF8, v4;
	v10 =	vld.idx.msk [tilespmem:v10+s4+$0x0], $0xffff;
	[tilespmem:v33+s10+$0x0] =	vst.idx.msk $0xffff, v8  }
0x42: {  	v2 =	vor.u32 v5, v4;
	v51 =	vadd.s32 s22, v19;
	v45 =	vadd.s32 s21, v19;
	[tilespmem:v16+s10+$0x0] =	vst.idx.msk $0xffff, v12;
	v37 =	vld.idx.msk [tilespmem:v37+s4+$0x0], $0xffff  }
0x43: {  	v4 =	vor.u32 $0x3, v30;
	v46 =	vadd.s32 s19, v19;
	v53 =	vadd.s32 s20, v19;
	[tilespmem:v17+s10+$0x0] =	vst.idx.msk $0xffff, v14;
	v39 =	vld.idx.msk [tilespmem:v39+s4+$0x0], $0xffff  }
0x44: {  	v8 =	vadd.s32 $0x4, v31;
	v16 =	vadd.s32 $0x4, v30;
	v17 =	vadd.s32 $0x4, v29;
	v9 =	vld [tilespmem:$0x1FEB0]  }
0x45: {  	v0 =	vand.u32 $0x1FFF8, v51;
	v52 =	vand.u32 $0x1FFF8, v45;
	v55 =	vand.u32 $0x1FFF8, v46  }
0x46: {  	v44 =	vand.u32 $0x1FFF8, v53;
	[tilespmem:v32+s10+$0x0] =	vst.idx.msk $0xffff, v10;
	v46 =	vadd.s32 $0x5, v15;
	v53 =	vadd.s32 s21, v18  }
0x47: {  	v41 =	vld.idx.msk [tilespmem:v41+s4+$0x0], $0xffff;
	v0 =	vor.u32 v7, v0;
	v56 =	vor.u32 v7, v52;
	v60 =	vor.u32 v7, v44  }
0x48: {  	v12 =	vor.u32 v7, v55;
	v11 =	vld [tilespmem:$0x1FEC0];
	v55 =	vand.u32 $0x1FFF8, v53;
	v53 =	vadd.s32 s21, v22;
	[tilespmem:v2+s10+$0x0] =	vst.idx.msk $0xffff, v37  }
0x49: {  	v35 =	vld.idx.msk [tilespmem:v35+s4+$0x0], $0xffff;
	v33 =	vor.u32 v13, v55;
	v55 =	vadd.s32 s19, v22;
	v14 =	vadd.s32 s22, v9;
	[tilespmem:v40+s10+$0x0] =	vst.idx.msk $0xffff, v39  }
0x4a: {  	v62 =	vadd.s32 s21, v9;
	v63 =	vadd.s32 s19, v9;
	v48 =	vadd.s32 s20, v9;
	v9 =	vld [tilespmem:$0x1FED0]  }
0x4b: {  	v2 =	vadd.s32 $0x5, v31;
	v37 =	vadd.s32 $0x5, v30;
	v40 =	vadd.s32 $0x5, v29;
	v6 =	vld.idx.msk [tilespmem:v6+s4+$0x0], $0xffff  }
0x4c: {  	v14 =	vand.u32 $0x1FFF8, v14;
	v45 =	vand.u32 $0x1FFF8, v62;
	v10 =	vand.u32 $0x1FFF8, v63;
	v4 =	vld.idx.msk [tilespmem:v4+s4+$0x0], $0xffff;
	[tilespmem:v50+s10+$0x0] =	vst.idx.msk $0xffff, v41  }
0x4d: {  	v32 =	vand.u32 $0x1FFF8, v48;
	v14 =	vor.u32 v11, v14;
	v10 =	vor.u32 v11, v10;
	v38 =	vld.idx.msk [tilespmem:v38+s4+$0x0], $0xffff  }
0x4e: {  	v63 =	vadd.s32 s20, v18;
	v45 =	vor.u32 v11, v45;
	v32 =	vor.u32 v11, v32;
	v19 =	vld [tilespmem:$0x1FEE0];
	[tilespmem:v34+s10+$0x0] =	vst.idx.msk $0xffff, v35  }
0x4f: {  	v35 =	vadd.s32 $0x6, v31;
	v52 =	vld.idx.msk [tilespmem:v43+s4+$0x0], $0xffff;
	v43 =	vadd.s32 $0x6, v30;
	v49 =	vadd.s32 s22, v9  }
0x50: {  	v50 =	vadd.s32 s19, v9;
	v51 =	vadd.s32 s21, v9;
	v48 =	vadd.s32 s20, v9;
	[tilespmem:v60+s10+$0x0] =	vst.idx.msk $0xffff, v6  }
0x51: {  	v6 =	vadd.s32 s22, v18;
	[tilespmem:v0+s10+$0x0] =	vst.idx.msk $0xffff, v4;
	v0 =	vadd.s32 s19, v18;
	v60 =	vadd.s32 s19, v20  }
0x52: {  	v27 =	vmovc v36;
	v18 =	vadd.s32 $0xD, v31;
	v39 =	vand.u32 $0x1FFF8, v49;
	v36 =	vand.u32 $0x1FFF8, v50  }
0x53: {  	v41 =	vand.u32 $0x1FFF8, v51;
	v48 =	vand.u32 $0x1FFF8, v48;
	v4 =	vand.u32 $0x1FFF8, v6  }
0x54: {  	[tilespmem:v56+s10+$0x0] =	vst.idx.msk $0xffff, v38;
	v0 =	vand.u32 $0x1FFF8, v0;
	v56 =	vadd.s32 $0x6, v15;
	v49 =	vadd.s32 s22, v20  }
0x55: {  	v44 =	vld.idx.msk [tilespmem:v61+s4+$0x0], $0xffff;
	v50 =	vadd.s32 s21, v20;
	v51 =	vadd.s32 s22, v57;
	v39 =	vor.u32 v19, v39  }
0x56: {  	v16 =	vld.idx.msk [tilespmem:v16+s4+$0x0], $0xffff;
	v34 =	vor.u32 v19, v36;
	v36 =	vor.u32 v19, v41;
	v6 =	vor.u32 v19, v48  }
0x57: {  	v0 =	vor.u32 v13, v0;
	v4 =	vor.u32 v13, v4;
	v17 =	vld.idx.msk [tilespmem:v17+s4+$0x0], $0xffff;
	[tilespmem:v12+s10+$0x0] =	vst.idx.msk $0xffff, v52  }
0x58: {  	v12 =	vadd.s32 $0x7, v31;
	v41 =	vadd.s32 $0x7, v30;
	v61 =	vand.u32 $0x1FFF8, v49;
	v8 =	vld.idx.msk [tilespmem:v8+s4+$0x0], $0xffff  }
0x59: {  	v62 =	vand.u32 $0x1FFF8, v50;
	v48 =	vand.u32 $0x1FFF8, v60;
	v49 =	vand.u32 $0x1FFF8, v63  }
0x5a: {  	v52 =	vadd.s32 $0x7, v15;
	v60 =	vadd.s32 s22, v23;
	v63 =	vadd.s32 $0x8, v15;
	[tilespmem:v32+s10+$0x0] =	vst.idx.msk $0xffff, v44  }
0x5b: {  	v51 =	vand.u32 $0x1FFF8, v51;
	v32 =	vor.u32 v21, v61;
	[tilespmem:v14+s10+$0x0] =	vst.idx.msk $0xffff, v16;
	v14 =	vadd.s32 $0x8, v31;
	v46 =	vld.idx.msk [tilespmem:v46+s4+$0x0], $0xffff  }
0x5c: {  	v16 =	vor.u32 v21, v62;
	v44 =	vor.u32 v13, v49;
	v37 =	vld.idx.msk [tilespmem:v37+s4+$0x0], $0xffff;
	[tilespmem:v45+s10+$0x0] =	vst.idx.msk $0xffff, v17  }
0x5d: {  	v49 =	vand.u32 $0x1FFF8, v53;
	v61 =	vadd.s32 s21, v23;
	v62 =	vand.u32 $0x1FFF8, v60;
	v40 =	vld.idx.msk [tilespmem:v40+s4+$0x0], $0xffff;
	[tilespmem:v10+s10+$0x0] =	vst.idx.msk $0xffff, v8  }
0x5e: {  	v53 =	vadd.s32 s20, v22;
	v60 =	vadd.s32 s21, v58;
	v17 =	vor.u32 v21, v48;
	v2 =	vld.idx.msk [tilespmem:v2+s4+$0x0], $0xffff  }
0x5f: {  	v45 =	vadd.s32 $0x8, v30;
	v53 =	vand.u32 $0x1FFF8, v53;
	v8 =	vadd.s32 s22, v22  }
0x60: {  	v48 =	vadd.s32 $0xA, v30;
	v22 =	vor.u32 v1, v53;
	v8 =	vand.u32 $0x1FFF8, v8;
	[tilespmem:v6+s10+$0x0] =	vst.idx.msk $0xffff, v46  }
0x61: {  	v10 =	vadd.s32 $0x8, v29;
	v53 =	vadd.s32 $0xB, v30;
	v8 =	vor.u32 v1, v8;
	[tilespmem:v39+s10+$0x0] =	vst.idx.msk $0xffff, v37;
	v38 =	vld.idx.msk [tilespmem:v56+s4+$0x0], $0xffff  }
0x62: {  	v6 =	vand.u32 $0x1FFF8, v55;
	v46 =	vor.u32 v1, v49;
	v49 =	vadd.s32 $0x9, v31;
	v43 =	vld.idx.msk [tilespmem:v43+s4+$0x0], $0xffff;
	[tilespmem:v36+s10+$0x0] =	vst.idx.msk $0xffff, v40  }
0x63: {  	v37 =	vadd.s32 $0x9, v30;
	v39 =	vadd.s32 $0x9, v29;
	v55 =	vadd.s32 $0xB, v29;
	v47 =	vld.idx.msk [tilespmem:v47+s4+$0x0], $0xffff;
	[tilespmem:v34+s10+$0x0] =	vst.idx.msk $0xffff, v2  }
0x64: {  	v6 =	vor.u32 v1, v6;
	v56 =	vadd.s32 s20, v20;
	v40 =	vand.u32 $0x1FFF8, v61;
	v35 =	vld.idx.msk [tilespmem:v35+s4+$0x0], $0xffff  }
0x65: {  	v9 =	vmovc v54;
	v20 =	vadd.s32 s21, v57;
	v61 =	vadd.s32 s20, v23;
	v50 =	vand.u32 $0x1FFF8, v56  }
0x66: {  	v2 =	vadd.s32 s19, v23;
	v34 =	vor.u32 v3, v62;
	v40 =	vor.u32 v3, v40;
	[tilespmem:v44+s10+$0x0] =	vst.idx.msk $0xffff, v38  }
0x67: {  	v56 =	vadd.s32 $0xB, v31;
	v50 =	vor.u32 v21, v50;
	v2 =	vand.u32 $0x1FFF8, v2;
	[tilespmem:v4+s10+$0x0] =	vst.idx.msk $0xffff, v43;
	v44 =	vld.idx.msk [tilespmem:v52+s4+$0x0], $0xffff  }
0x68: {  	v62 =	vadd.s32 s21, v54;
	v23 =	vadd.s32 s19, v9;
	v2 =	vor.u32 v3, v2;
	v41 =	vld.idx.msk [tilespmem:v41+s4+$0x0], $0xffff;
	[tilespmem:v33+s10+$0x0] =	vst.idx.msk $0xffff, v47  }
0x69: {  	v38 =	vadd.s32 $0xA, v31;
	v4 =	vadd.s32 s19, v57;
	v43 =	vand.u32 $0x1FFF8, v20;
	v42 =	vld.idx.msk [tilespmem:v42+s4+$0x0], $0xffff;
	[tilespmem:v0+s10+$0x0] =	vst.idx.msk $0xffff, v35  }
0x6a: {  	v52 =	vadd.s32 $0xA, v29;
	v4 =	vand.u32 $0x1FFF8, v4;
	v33 =	vor.u32 v5, v51;
	v12 =	vld.idx.msk [tilespmem:v12+s4+$0x0], $0xffff  }
0x6b: {  	v43 =	vor.u32 v5, v43;
	v47 =	vadd.s32 s20, v57;
	v0 =	vadd.s32 $0x9, v15  }
0x6c: {  	v51 =	vor.u32 v5, v4;
	v4 =	vadd.s32 s19, v58;
	v35 =	vadd.s32 s22, v58;
	[tilespmem:v50+s10+$0x0] =	vst.idx.msk $0xffff, v44  }
0x6d: {  	v4 =	vand.u32 $0x1FFF8, v4;
	v44 =	vand.u32 $0x1FFF8, v35;
	v50 =	vand.u32 $0x1FFF8, v60;
	[tilespmem:v32+s10+$0x0] =	vst.idx.msk $0xffff, v41;
	v36 =	vld.idx.msk [tilespmem:v63+s4+$0x0], $0xffff  }
0x6e: {  	v32 =	vor.u32 v7, v44;
	v41 =	vor.u32 v7, v50;
	v45 =	vld.idx.msk [tilespmem:v45+s4+$0x0], $0xffff;
	[tilespmem:v16+s10+$0x0] =	vst.idx.msk $0xffff, v42  }
0x6f: {  	v35 =	vand.u32 $0x1FFF8, v62;
	v16 =	vor.u32 v7, v4;
	v42 =	vadd.s32 $0xC, v31;
	v10 =	vld.idx.msk [tilespmem:v10+s4+$0x0], $0xffff;
	[tilespmem:v17+s10+$0x0] =	vst.idx.msk $0xffff, v12  }
0x70: {  	v4 =	vand.u32 $0x1FFF8, v61;
	v44 =	vadd.s32 $0xC, v29;
	v12 =	vld.idx.msk [tilespmem:v14+s4+$0x0], $0xffff;
	v14 =	vadd.s32 s22, v54  }
0x71: {  	v63 =	vadd.s32 $0xA, v15;
	v61 =	vadd.s32 s22, v24;
	v14 =	vand.u32 $0x1FFF8, v14  }
0x72: {  	v17 =	vadd.s32 $0xC, v30;
	v4 =	vor.u32 v3, v4;
	v14 =	vor.u32 v11, v14;
	[tilespmem:v22+s10+$0x0] =	vst.idx.msk $0xffff, v36  }
0x73: {  	v36 =	vand.u32 $0x1FFF8, v23;
	v22 =	vor.u32 v11, v35;
	[tilespmem:v8+s10+$0x0] =	vst.idx.msk $0xffff, v45;
	v35 =	vadd.s32 $0xD, v30;
	v0 =	vld.idx.msk [tilespmem:v0+s4+$0x0], $0xffff  }
0x74: {  	v45 =	vadd.s32 $0xB, v15;
	v20 =	vor.u32 v11, v36;
	v8 =	vld.idx.msk [tilespmem:v37+s4+$0x0], $0xffff;
	[tilespmem:v46+s10+$0x0] =	vst.idx.msk $0xffff, v10;
	v10 =	vadd.s32 s22, v59  }
0x75: {  	v46 =	vadd.s32 $0xD, v29;
	v36 =	vand.u32 $0x1FFF8, v47;
	v47 =	vadd.s32 s22, v27  }
0x76: {  	v50 =	vld.idx.msk [tilespmem:v39+s4+$0x0], $0xffff;
	[tilespmem:v6+s10+$0x0] =	vst.idx.msk $0xffff, v12;
	v6 =	vadd.s32 s19, v59;
	v12 =	vadd.s32 s21, v59;
	v10 =	vand.u32 $0x1FFF8, v10  }
0x77: {  	v36 =	vor.u32 v5, v36;
	v39 =	vadd.s32 $0xC, v15;
	v57 =	vld.idx.msk [tilespmem:v49+s4+$0x0], $0xffff;
	v12 =	vand.u32 $0x1FFF8, v12  }
0x78: {  	v10 =	vor.u32 v19, v10;
	v49 =	vadd.s32 s19, v25;
	v12 =	vor.u32 v19, v12;
	[tilespmem:v4+s10+$0x0] =	vst.idx.msk $0xffff, v0  }
0x79: {  	v0 =	vand.u32 $0x1FFF8, v6;
	[tilespmem:v34+s10+$0x0] =	vst.idx.msk $0xffff, v8;
	v6 =	vadd.s32 $0xE, v30;
	v8 =	vadd.s32 s22, v25  }
0x7a: {  	v23 =	vld.idx.msk [tilespmem:v63+s4+$0x0], $0xffff;
	v4 =	vor.u32 v19, v0;
	v63 =	vadd.s32 $0xE, v31;
	v0 =	vadd.s32 $0xE, v29  }
0x7b: {  	v34 =	vld.idx.msk [tilespmem:v48+s4+$0x0], $0xffff;
	[tilespmem:v40+s10+$0x0] =	vst.idx.msk $0xffff, v50;
	v8 =	vand.u32 $0x1FFF8, v8;
	v50 =	vadd.s32 s21, v25;
	v48 =	vadd.s32 $0xF, v29  }
0x7c: {  	v52 =	vld.idx.msk [tilespmem:v52+s4+$0x0], $0xffff;
	[tilespmem:v2+s10+$0x0] =	vst.idx.msk $0xffff, v57;
	v2 =	vand.u32 $0x1FFF8, v49;
	v54 =	vand.u32 $0x1FFF8, v50;
	v57 =	vadd.s32 s20, v58  }
0x7d: {  	v62 =	vor.u32 v13, v8;
	v58 =	vadd.s32 s19, v24;
	v50 =	vadd.s32 $0x10, v29;
	v38 =	vld.idx.msk [tilespmem:v38+s4+$0x0], $0xffff  }
0x7e: {  	v49 =	vadd.s32 $0x11, v30;
	v60 =	vor.u32 v13, v54;
	v8 =	vand.u32 $0x1FFF8, v57  }
0x7f: {  	v2 =	vor.u32 v13, v2;
	v13 =	vmovc v59;
	v59 =	vadd.s32 $0xF, v31;
	v57 =	vadd.s32 s21, v26;
	[tilespmem:v36+s10+$0x0] =	vst.idx.msk $0xffff, v23  }
0x80: {  	v36 =	vor.u32 v7, v8;
	v8 =	vadd.s32 $0xF, v30;
	[tilespmem:v33+s10+$0x0] =	vst.idx.msk $0xffff, v34;
	v23 =	vadd.s32 s21, v24;
	v37 =	vld.idx.msk [tilespmem:v45+s4+$0x0], $0xffff  }
0x81: {  	v33 =	vand.u32 $0x1FFF8, v58;
	v34 =	vand.u32 $0x1FFF8, v61;
	[tilespmem:v43+s10+$0x0] =	vst.idx.msk $0xffff, v52;
	v40 =	vand.u32 $0x1FFF8, v23;
	v24 =	vld.idx.msk [tilespmem:v53+s4+$0x0], $0xffff  }
0x82: {  	v58 =	vor.u32 v21, v33;
	v61 =	vor.u32 v21, v34;
	v25 =	vld.idx.msk [tilespmem:v55+s4+$0x0], $0xffff;
	[tilespmem:v51+s10+$0x0] =	vst.idx.msk $0xffff, v38  }
0x83: {  	v45 =	vadd.s32 s20, v9;
	v52 =	vadd.s32 s19, v27;
	v53 =	vadd.s32 s21, v27;
	v38 =	vld.idx.msk [tilespmem:v56+s4+$0x0], $0xffff  }
0x84: {  	v9 =	vadd.s32 $0xD, v15;
	v23 =	vadd.s32 s19, v26;
	v33 =	vand.u32 $0x1FFF8, v57  }
0x85: {  	v57 =	vadd.s32 s19, v28;
	v54 =	vor.u32 v21, v40;
	v34 =	vand.u32 $0x1FFF8, v45;
	[tilespmem:v36+s10+$0x0] =	vst.idx.msk $0xffff, v37  }
0x86: {  	v55 =	vadd.s32 $0x10, v31;
	v40 =	vand.u32 $0x1FFF8, v47;
	v34 =	vor.u32 v11, v34;
	[tilespmem:v32+s10+$0x0] =	vst.idx.msk $0xffff, v24;
	v39 =	vld.idx.msk [tilespmem:v39+s4+$0x0], $0xffff  }
0x87: {  	v51 =	vadd.s32 $0x10, v30;
	v56 =	vand.u32 $0x1FFF8, v52;
	v47 =	vor.u32 v1, v40;
	v17 =	vld.idx.msk [tilespmem:v17+s4+$0x0], $0xffff;
	[tilespmem:v41+s10+$0x0] =	vst.idx.msk $0xffff, v25  }
0x88: {  	v52 =	vadd.s32 $0x11, v31;
	v40 =	vadd.s32 $0x11, v29;
	v37 =	vand.u32 $0x1FFF8, v53;
	v32 =	vld.idx.msk [tilespmem:v44+s4+$0x0], $0xffff;
	[tilespmem:v16+s10+$0x0] =	vst.idx.msk $0xffff, v38  }
0x89: {  	v56 =	vor.u32 v1, v56;
	v24 =	vadd.s32 s20, v13;
	v45 =	vor.u32 v1, v37;
	v21 =	vld.idx.msk [tilespmem:v42+s4+$0x0], $0xffff  }
0x8a: {  	v25 =	vand.u32 $0x1FFF8, v23;
	v37 =	vor.u32 v3, v33;
	v33 =	vadd.s32 $0x12, v29  }
0x8b: {  	v16 =	vadd.s32 s22, v26;
	v26 =	vand.u32 $0x1FFF8, v24;
	v44 =	vadd.s32 $0x12, v31;
	[tilespmem:v34+s10+$0x0] =	vst.idx.msk $0xffff, v39  }
0x8c: {  	v16 =	vand.u32 $0x1FFF8, v16;
	v38 =	vor.u32 v19, v26;
	v42 =	vadd.s32 $0x12, v30;
	[tilespmem:v14+s10+$0x0] =	vst.idx.msk $0xffff, v17;
	v36 =	vld.idx.msk [tilespmem:v9+s4+$0x0], $0xffff  }
0x8d: {  	v41 =	vor.u32 v3, v16;
	v16 =	vadd.s32 $0xE, v15;
	v14 =	vadd.s32 s22, v28;
	v34 =	vld.idx.msk [tilespmem:v35+s4+$0x0], $0xffff;
	[tilespmem:v22+s10+$0x0] =	vst.idx.msk $0xffff, v32  }
0x8e: {  	v39 =	vor.u32 v3, v25;
	v14 =	vand.u32 $0x1FFF8, v14;
	v9 =	vadd.s32 s21, v28;
	v43 =	vld.idx.msk [tilespmem:v46+s4+$0x0], $0xffff;
	[tilespmem:v20+s10+$0x0] =	vst.idx.msk $0xffff, v21  }
0x8f: {  	s23 =	simm.s32 $0x0;
	s24 =	simm.s32 $0x230;
	v32 =	vand.u32 $0x1FFF8, v57;
	v35 =	vor.u32 v5, v14;
	v14 =	vand.u32 $0x1FFF8, v9;
	v17 =	vld.idx.msk [tilespmem:v18+s4+$0x0], $0xffff  }
.LBB2_3:
0x90: {  	v18 =	vld [tilespmem:s24+$0x10]  }
0x91: {  	v24 =	vld [tilespmem:$0x1FF00]  }
0x92: {  	v28 =	vld [tilespmem:$0x1FF40]  }
0x93: {  	v20 =	vld [tilespmem:s24+$0xFFFFFFE0]  }
0x94: {  	v53 =	vor.u32 v5, v32;
	v32 =	vld [tilespmem:$0x1FF10]  }
0x95: {  	[tilespmem:v38+s10+$0x0] =	vst.idx.msk $0xffff, v36;
	v36 =	vld [tilespmem:$0x1FF80]  }
0x96: {  	v25 =	vld [tilespmem:$0x1FF70]  }
0x97: {  	v27 =	vld [tilespmem:$0x1FF20]  }
0x98: {  	v26 =	vld [tilespmem:$0x1FE80]  }
0x99: {  	v9 =	vor.u32 v5, v14;
	v38 =	vadd.s32 $0x13, v30;
	v30 =	vld [tilespmem:s24+$0xFFFFFFF0]  }
0x9a: {  	[tilespmem:v10+s10+$0x0] =	vst.idx.msk $0xffff, v34;
	v34 =	vadd.s32 $0x13, v29;
	v29 =	vld [tilespmem:s24+$0x0];
	v10 =	vadd.s32 s22, v24;
	v14 =	vadd.s32 s20, v36  }
0x9b: {  	v16 =	vld.idx.msk [tilespmem:v16+s4+$0x0], $0xffff;
	v57 =	vand.u32 $0x1FFF8, v10;
	v14 =	vand.u32 $0x1FFF8, v14  }
0x9c: {  	[tilespmem:v4+s10+$0x0] =	vst.idx.msk $0xffff, v17;
	v4 =	vld.idx.msk [tilespmem:v6+s4+$0x0], $0xffff;
	v6 =	vor.u32 v7, v57;
	v14 =	vor.u32 v28, v14  }
0x9d: {  	v19 =	vadd.s32 $0xF, v15;
	[tilespmem:$0x1FE60] =	vst v6;
	v6 =	vld.idx.msk [tilespmem:v63+s4+$0x0], $0xffff  }
0x9e: {  	v46 =	vadd.s32 $0x13, v31;
	[tilespmem:v12+s10+$0x0] =	vst.idx.msk $0xffff, v43;
	v12 =	vadd.s32 s21, v24;
	v63 =	vld [tilespmem:$0x1FEF0]  }
0x9f: {  	v11 =	vld [tilespmem:$0x1FF30];
	v31 =	vadd.s32 s19, v24;
	v12 =	vand.u32 $0x1FFF8, v12;
	v10 =	vmul.u32 $0x14, v18  }
0xa0: {  	v13 =	vld [tilespmem:$0x1FEB0];
	[tilespmem:$0x1FE50] =	vst v9;
	v9 =	vor.u32 v7, v12;
	v12 =	vadd.s32 s20, v32;
	v30 =	vmul.u32 $0x14, v30  }
0xa1: {  	v0 =	vld.idx.msk [tilespmem:v0+s4+$0x0], $0xffff;
	s19 =	sadd.s32 $0x500, s19;
	v31 =	vand.u32 $0x1FFF8, v31;
	v12 =	vand.u32 $0x1FFF8, v12;
	v29 =	vmul.u32 $0x14, v29;
	[tilespmem:v14+s10+$0x0] =	vst.idx.msk $0xffff, v16  }
0xa2: {  	s25 =	sadd.s32 $0x3C0, s19;
	v43 =	vor.u32 v7, v31;
	[tilespmem:$0x1FE70] =	vst v9;
	v12 =	vor.u32 v25, v12;
	v14 =	vld.idx.msk [tilespmem:v19+s4+$0x0], $0xffff  }
0xa3: {  	s22 =	sadd.s32 $0x140, s19;
	v31 =	vmul.u32 $0x14, v20;
	v9 =	vld [tilespmem:$0x1FF50];
	[tilespmem:v62+s10+$0x0] =	vst.idx.msk $0xffff, v4;
	v18 =	vadd.s32 s25, v63;
	v19 =	vadd.s32 $0x10, v15  }
0xa4: {  	v17 =	vadd.s32 s22, v63;
	[tilespmem:v2+s10+$0x0] =	vst.idx.msk $0xffff, v6;
	v2 =	vld.idx.msk [tilespmem:v8+s4+$0x0], $0xffff;
	v18 =	vand.u32 $0x1FFF8, v18  }
0xa5: {  	s21 =	sadd.s32 $0x280, s19;
	v23 =	vadd.s32 s19, v26;
	v17 =	vand.u32 $0x1FFF8, v17;
	v18 =	vor.u32 v1, v18;
	v57 =	vld.idx.msk [tilespmem:v10+s4+$0x0], $0xffff  }
0xa6: {  	v20 =	vadd.s32 s21, v63;
	v6 =	vld.idx.msk [tilespmem:v30+s4+$0x0], $0xffff;
	v8 =	vor.u32 v1, v17;
	v16 =	vadd.s32 s19, v63  }
0xa7: {  	v17 =	vor.u32 $0x1, v10;
	v62 =	vld.idx.msk [tilespmem:v29+s4+$0x0], $0xffff;
	v4 =	vand.u32 $0x1FFF8, v16;
	v16 =	vand.u32 $0x1FFF8, v20;
	[tilespmem:v12+s10+$0x0] =	vst.idx.msk $0xffff, v14  }
0xa8: {  	v22 =	vadd.s32 s21, v26;
	[tilespmem:v60+s10+$0x0] =	vst.idx.msk $0xffff, v0;
	v16 =	vor.u32 v1, v16;
	v12 =	vadd.s32 s20, v27;
	v0 =	vld.idx.msk [tilespmem:v19+s4+$0x0], $0xffff  }
0xa9: {  	v4 =	vor.u32 v1, v4;
	v14 =	vor.u32 $0x1, v30;
	v12 =	vand.u32 $0x1FFF8, v12;
	v19 =	vld.idx.msk [tilespmem:v31+s4+$0x0], $0xffff  }
0xaa: {  	v21 =	vor.u32 $0x1, v29;
	v59 =	vld.idx.msk [tilespmem:v59+s4+$0x0], $0xffff;
	[tilespmem:v18+s10+$0x0] =	vst.idx.msk $0xffff, v57;
	v18 =	vadd.s32 s25, v26;
	v12 =	vor.u32 v1, v12  }
0xab: {  	v60 =	vadd.s32 s22, v26;
	v20 =	vor.u32 $0x1, v31;
	[tilespmem:v61+s10+$0x0] =	vst.idx.msk $0xffff, v2;
	v57 =	vld [tilespmem:$0x1FE90];
	v18 =	vand.u32 $0x1FFF8, v18  }
0xac: {  	v63 =	vadd.s32 $0x11, v15;
	v60 =	vand.u32 $0x1FFF8, v60;
	[tilespmem:v8+s10+$0x0] =	vst.idx.msk $0xffff, v6;
	v17 =	vld.idx.msk [tilespmem:v17+s4+$0x0], $0xffff;
	v8 =	vor.u32 v3, v18  }
0xad: {  	v22 =	vand.u32 $0x1FFF8, v22;
	v2 =	vand.u32 $0x1FFF8, v23;
	v6 =	vor.u32 v3, v60;
	[tilespmem:v16+s10+$0x0] =	vst.idx.msk $0xffff, v62;
	v62 =	vld [tilespmem:$0x1FEA0]  }
0xae: {  	v23 =	vor.u32 $0x2, v30;
	v16 =	vor.u32 v3, v22;
	v22 =	vor.u32 $0x2, v10;
	v14 =	vld.idx.msk [tilespmem:v14+s4+$0x0], $0xffff;
	[tilespmem:v4+s10+$0x0] =	vst.idx.msk $0xffff, v19  }
0xaf: {  	v2 =	vor.u32 v3, v2;
	v21 =	vld.idx.msk [tilespmem:v21+s4+$0x0], $0xffff;
	v18 =	vor.u32 $0x2, v31;
	[tilespmem:v12+s10+$0x0] =	vst.idx.msk $0xffff, v0;
	v0 =	vadd.s32 s20, v11  }
0xb0: {  	v4 =	vadd.s32 s22, v57;
	v12 =	vor.u32 $0x2, v29;
	v20 =	vld.idx.msk [tilespmem:v20+s4+$0x0], $0xffff;
	v0 =	vand.u32 $0x1FFF8, v0  }
0xb1: {  	v60 =	vadd.s32 s19, v57;
	v19 =	vld.idx.msk [tilespmem:v63+s4+$0x0], $0xffff;
	[tilespmem:v8+s10+$0x0] =	vst.idx.msk $0xffff, v17;
	v8 =	vadd.s32 s25, v57;
	v0 =	vor.u32 v3, v0  }
0xb2: {  	v61 =	vadd.s32 s21, v57;
	[tilespmem:v58+s10+$0x0] =	vst.idx.msk $0xffff, v59;
	v17 =	vld.idx.msk [tilespmem:v48+s4+$0x0], $0xffff;
	v57 =	vadd.s32 $0x12, v15;
	v8 =	vand.u32 $0x1FFF8, v8  }
0xb3: {  	v22 =	vld.idx.msk [tilespmem:v22+s4+$0x0], $0xffff;
	[tilespmem:v6+s10+$0x0] =	vst.idx.msk $0xffff, v14;
	v6 =	vor.u32 v5, v8  }
0xb4: {  	v4 =	vand.u32 $0x1FFF8, v4;
	v26 =	vand.u32 $0x1FFF8, v60;
	v59 =	vadd.s32 $0x13, v15;
	[tilespmem:v16+s10+$0x0] =	vst.idx.msk $0xffff, v21;
	v8 =	vld.idx.msk [tilespmem:v23+s4+$0x0], $0xffff  }
0xb5: {  	v48 =	vand.u32 $0x1FFF8, v61;
	v4 =	vor.u32 v5, v4;
	v21 =	vor.u32 $0x3, v10;
	v12 =	vld.idx.msk [tilespmem:v12+s4+$0x0], $0xffff;
	[tilespmem:v2+s10+$0x0] =	vst.idx.msk $0xffff, v20  }
0xb6: {  	v16 =	vor.u32 v5, v48;
	v14 =	vor.u32 $0x3, v30;
	v18 =	vld.idx.msk [tilespmem:v18+s4+$0x0], $0xffff;
	[tilespmem:v0+s10+$0x0] =	vst.idx.msk $0xffff, v19;
	v0 =	vadd.s32 s20, v9  }
0xb7: {  	v61 =	vor.u32 $0x3, v29;
	[tilespmem:v54+s10+$0x0] =	vst.idx.msk $0xffff, v17;
	v19 =	vadd.s32 s21, v62;
	v63 =	vld.idx.msk [tilespmem:v57+s4+$0x0], $0xffff;
	v0 =	vand.u32 $0x1FFF8, v0  }
0xb8: {  	v17 =	vand.u32 $0x1FFF8, v19;
	[tilespmem:v6+s10+$0x0] =	vst.idx.msk $0xffff, v22;
	v6 =	vadd.s32 s25, v62;
	v19 =	vld.idx.msk [tilespmem:v55+s4+$0x0], $0xffff;
	v0 =	vor.u32 v5, v0  }
0xb9: {  	v48 =	vadd.s32 s19, v62;
	v23 =	vor.u32 v5, v26;
	v57 =	vld [tilespmem:$0x1FFE0];
	v6 =	vand.u32 $0x1FFF8, v6  }
0xba: {  	v15 =	vmov v10;
	v10 =	vand.u32 $0x1FFF8, v48;
	v21 =	vld.idx.msk [tilespmem:v21+s4+$0x0], $0xffff;
	[tilespmem:v4+s10+$0x0] =	vst.idx.msk $0xffff, v8;
	v6 =	vor.u32 v7, v6  }
0xbb: {  	v60 =	vor.u32 $0x3, v31;
	v2 =	vadd.s32 s22, v62;
	v8 =	vor.u32 v7, v10;
	v10 =	vld.idx.msk [tilespmem:v14+s4+$0x0], $0xffff;
	[tilespmem:v16+s10+$0x0] =	vst.idx.msk $0xffff, v12  }
0xbc: {  	v2 =	vand.u32 $0x1FFF8, v2;
	v4 =	vor.u32 v7, v17;
	v17 =	vld.idx.msk [tilespmem:v61+s4+$0x0], $0xffff  }
0xbd: {  	v2 =	vor.u32 v7, v2;
	v62 =	vadd.s32 s21, v13;
	[tilespmem:v0+s10+$0x0] =	vst.idx.msk $0xffff, v63;
	v0 =	vadd.s32 s20, v24;
	v24 =	vld [tilespmem:$0x1FEC0]  }
0xbe: {  	v14 =	vadd.s32 $0x4, v30;
	v12 =	vadd.s32 $0x4, v15;
	v16 =	vadd.s32 s22, v13;
	[tilespmem:v23+s10+$0x0] =	vst.idx.msk $0xffff, v18;
	s20 =	smov.u32 s25;
	v22 =	vld.idx.msk [tilespmem:v59+s4+$0x0], $0xffff  }
0xbf: {  	v18 =	vadd.s32 s19, v13;
	v0 =	vand.u32 $0x1FFF8, v0;
	[tilespmem:v6+s10+$0x0] =	vst.idx.msk $0xffff, v21;
	v6 =	vadd.s32 s20, v13;
	v13 =	vld [tilespmem:$0x1FED0]  }
0xc0: {  	v23 =	vld.idx.msk [tilespmem:v60+s4+$0x0], $0xffff;
	v0 =	vor.u32 v7, v0  }
0xc1: {  	v61 =	vadd.s32 $0x4, v29;
	[tilespmem:v56+s10+$0x0] =	vst.idx.msk $0xffff, v19;
	v19 =	vld.idx.msk [tilespmem:v51+s4+$0x0], $0xffff  }
0xc2: {  	[tilespmem:v2+s10+$0x0] =	vst.idx.msk $0xffff, v10;
	v10 =	vld.idx.msk [tilespmem:v50+s4+$0x0], $0xffff;
	v6 =	vand.u32 $0x1FFF8, v6  }
0xc3: {  	v54 =	vadd.s32 $0x4, v31;
	v12 =	vld.idx.msk [tilespmem:v12+s4+$0x0], $0xffff;
	v6 =	vor.u32 v24, v6  }
0xc4: {  	v16 =	vand.u32 $0x1FFF8, v16;
	v14 =	vld.idx.msk [tilespmem:v14+s4+$0x0], $0xffff;
	[tilespmem:v4+s10+$0x0] =	vst.idx.msk $0xffff, v17;
	v26 =	vadd.s32 s19, v13  }
0xc5: {  	v17 =	vadd.s32 $0x5, v15;
	v16 =	vor.u32 v24, v16;
	[tilespmem:v0+s10+$0x0] =	vst.idx.msk $0xffff, v22;
	v0 =	vand.u32 $0x1FFF8, v26;
	v26 =	vld [tilespmem:$0x1FEE0]  }
0xc6: {  	v20 =	vand.u32 $0x1FFF8, v62;
	v2 =	vadd.s32 $0x5, v30;
	v55 =	vld.idx.msk [tilespmem:v61+s4+$0x0], $0xffff;
	[tilespmem:v8+s10+$0x0] =	vst.idx.msk $0xffff, v23  }
0xc7: {  	v18 =	vand.u32 $0x1FFF8, v18;
	v21 =	vadd.s32 $0x5, v31;
	v23 =	vld.idx.msk [tilespmem:v52+s4+$0x0], $0xffff;
	v20 =	vor.u32 v24, v20  }
0xc8: {  	v4 =	vadd.s32 $0x5, v29;
	v61 =	vld.idx.msk [tilespmem:v54+s4+$0x0], $0xffff;
	v18 =	vor.u32 v24, v18;
	[tilespmem:v6+s10+$0x0] =	vst.idx.msk $0xffff, v12;
	v6 =	vadd.s32 s20, v13  }
0xc9: {  	[tilespmem:v47+s10+$0x0] =	vst.idx.msk $0xffff, v19;
	v63 =	vadd.s32 s22, v13;
	v48 =	vadd.s32 s21, v13;
	v13 =	vld [tilespmem:$0x1FFF0];
	v6 =	vand.u32 $0x1FFF8, v6  }
0xca: {  	v50 =	vand.u32 $0x1FFF8, v63;
	[tilespmem:v16+s10+$0x0] =	vst.idx.msk $0xffff, v14;
	v17 =	vld.idx.msk [tilespmem:v17+s4+$0x0], $0xffff;
	v6 =	vor.u32 v26, v6  }
0xcb: {  	v2 =	vld.idx.msk [tilespmem:v2+s4+$0x0], $0xffff;
	v8 =	vor.u32 v26, v50  }
0xcc: {  	v52 =	vadd.s32 $0x6, v30;
	[tilespmem:v20+s10+$0x0] =	vst.idx.msk $0xffff, v55  }
0xcd: {  	v60 =	vand.u32 $0x1FFF8, v48;
	v63 =	vadd.s32 $0x6, v15;
	[tilespmem:v18+s10+$0x0] =	vst.idx.msk $0xffff, v61;
	v4 =	vld.idx.msk [tilespmem:v4+s4+$0x0], $0xffff  }
0xce: {  	v51 =	vadd.s32 $0x6, v31;
	v54 =	vadd.s32 $0x6, v29;
	v21 =	vld.idx.msk [tilespmem:v21+s4+$0x0], $0xffff;
	[tilespmem:v39+s10+$0x0] =	vst.idx.msk $0xffff, v23;
	v22 =	vor.u32 v26, v60  }
0xcf: {  	v14 =	vld.idx.msk [tilespmem:v49+s4+$0x0], $0xffff;
	v0 =	vor.u32 v26, v0;
	v60 =	vadd.s32 s19, v57;
	v12 =	vadd.s32 s22, v13;
	[tilespmem:v6+s10+$0x0] =	vst.idx.msk $0xffff, v17  }
0xd0: {  	v39 =	vld [tilespmem:$0x1FFA0];
	v12 =	vand.u32 $0x1FFF8, v12;
	v6 =	vadd.s32 s20, v13;
	v17 =	vand.u32 $0x1FFF8, v60;
	[tilespmem:v8+s10+$0x0] =	vst.idx.msk $0xffff, v2  }
0xd1: {  	v12 =	vor.u32 v28, v12;
	v6 =	vand.u32 $0x1FFF8, v6;
	v8 =	vor.u32 v25, v17;
	v17 =	vld.idx.msk [tilespmem:v52+s4+$0x0], $0xffff  }
0xd2: {  	[tilespmem:v45+s10+$0x0] =	vst.idx.msk $0xffff, v10;
	v20 =	vld.idx.msk [tilespmem:v63+s4+$0x0], $0xffff;
	v6 =	vor.u32 v28, v6  }
0xd3: {  	v62 =	vadd.s32 s21, v13;
	v19 =	vadd.s32 s19, v13;
	[tilespmem:v22+s10+$0x0] =	vst.idx.msk $0xffff, v4;
	v13 =	vld [tilespmem:$0x1FFC0]  }
0xd4: {  	v47 =	vadd.s32 $0x7, v30;
	[tilespmem:v0+s10+$0x0] =	vst.idx.msk $0xffff, v21;
	v45 =	vld.idx.msk [tilespmem:v54+s4+$0x0], $0xffff  }
0xd5: {  	v16 =	vand.u32 $0x1FFF8, v19;
	v19 =	vand.u32 $0x1FFF8, v62;
	v4 =	vadd.s32 $0x7, v15;
	v23 =	vld.idx.msk [tilespmem:v40+s4+$0x0], $0xffff;
	[tilespmem:v41+s10+$0x0] =	vst.idx.msk $0xffff, v14  }
0xd6: {  	v18 =	vadd.s32 $0x7, v31;
	v61 =	vadd.s32 s22, v57;
	v19 =	vor.u32 v28, v19;
	v40 =	vld.idx.msk [tilespmem:v51+s4+$0x0], $0xffff;
	[tilespmem:v12+s10+$0x0] =	vst.idx.msk $0xffff, v17  }
0xd7: {  	v62 =	vadd.s32 s21, v57;
	v16 =	vor.u32 v28, v16;
	[tilespmem:v6+s10+$0x0] =	vst.idx.msk $0xffff, v20;
	v6 =	vadd.s32 s20, v57;
	v57 =	vld [tilespmem:$0x1FFD0]  }
0xd8: {  	v49 =	vadd.s32 $0x7, v29;
	v55 =	vand.u32 $0x1FFF8, v61;
	v56 =	vand.u32 $0x1FFF8, v62;
	v17 =	vld.idx.msk [tilespmem:v42+s4+$0x0], $0xffff  }
0xd9: {  	v50 =	vor.u32 v25, v55;
	v2 =	vor.u32 v25, v56;
	v62 =	vld.idx.msk [tilespmem:v47+s4+$0x0], $0xffff;
	v6 =	vand.u32 $0x1FFF8, v6  }
0xda: {  	v52 =	vadd.s32 $0x8, v30;
	v63 =	vadd.s32 s22, v13;
	v4 =	vld.idx.msk [tilespmem:v4+s4+$0x0], $0xffff;
	v6 =	vor.u32 v25, v6  }
0xdb: {  	v54 =	vadd.s32 $0x8, v29;
	v48 =	vadd.s32 s21, v13;
	v58 =	vand.u32 $0x1FFF8, v63;
	[tilespmem:v19+s10+$0x0] =	vst.idx.msk $0xffff, v45  }
0xdc: {  	v60 =	vld.idx.msk [tilespmem:v44+s4+$0x0], $0xffff;
	v59 =	vand.u32 $0x1FFF8, v48;
	v19 =	vadd.s32 $0x8, v15;
	[tilespmem:v16+s10+$0x0] =	vst.idx.msk $0xffff, v40;
	v45 =	vadd.s32 s22, v39  }
0xdd: {  	v21 =	vor.u32 v1, v58;
	v63 =	vld.idx.msk [tilespmem:v49+s4+$0x0], $0xffff;
	v58 =	vadd.s32 s21, v39;
	v14 =	vadd.s32 s21, v57;
	[tilespmem:v35+s10+$0x0] =	vst.idx.msk $0xffff, v17  }
0xde: {  	v22 =	vor.u32 v1, v59;
	v59 =	vand.u32 $0x1FFF8, v58;
	v58 =	vld [tilespmem:$0x1FFB0];
	v14 =	vand.u32 $0x1FFF8, v14;
	[tilespmem:v50+s10+$0x0] =	vst.idx.msk $0xffff, v62  }
0xdf: {  	v47 =	vor.u32 v3, v14;
	v14 =	vld.idx.msk [tilespmem:v18+s4+$0x0], $0xffff;
	[tilespmem:v6+s10+$0x0] =	vst.idx.msk $0xffff, v4;
	v4 =	vadd.s32 s20, v13;
	v6 =	vand.u32 $0x1FFF8, v45  }
0xe0: {  	v4 =	vand.u32 $0x1FFF8, v4;
	v20 =	vor.u32 v5, v6;
	v6 =	vld.idx.msk [tilespmem:v52+s4+$0x0], $0xffff  }
0xe1: {  	v10 =	vadd.s32 $0x8, v31;
	[tilespmem:v37+s10+$0x0] =	vst.idx.msk $0xffff, v23;
	v19 =	vld.idx.msk [tilespmem:v19+s4+$0x0], $0xffff;
	v4 =	vor.u32 v1, v4  }
0xe2: {  	v55 =	vadd.s32 $0x9, v29;
	v51 =	vadd.s32 $0x9, v30;
	v0 =	vadd.s32 s19, v13;
	[tilespmem:v2+s10+$0x0] =	vst.idx.msk $0xffff, v63  }
0xe3: {  	v56 =	vadd.s32 s19, v39;
	v0 =	vand.u32 $0x1FFF8, v0;
	v2 =	vadd.s32 $0x9, v15;
	[tilespmem:v53+s10+$0x0] =	vst.idx.msk $0xffff, v60  }
0xe4: {  	v48 =	vadd.s32 $0x9, v31;
	v0 =	vor.u32 v1, v0;
	v23 =	vadd.s32 $0xA, v31;
	v60 =	vld.idx.msk [tilespmem:v54+s4+$0x0], $0xffff;
	[tilespmem:v8+s10+$0x0] =	vst.idx.msk $0xffff, v14  }
0xe5: {  	v49 =	vadd.s32 $0xA, v29;
	v12 =	vadd.s32 s22, v57;
	v13 =	vld [tilespmem:$0x1FF60];
	v8 =	vadd.s32 s19, v58;
	[tilespmem:v21+s10+$0x0] =	vst.idx.msk $0xffff, v6  }
0xe6: {  	v12 =	vand.u32 $0x1FFF8, v12;
	v10 =	vld.idx.msk [tilespmem:v10+s4+$0x0], $0xffff;
	v8 =	vand.u32 $0x1FFF8, v8;
	[tilespmem:v4+s10+$0x0] =	vst.idx.msk $0xffff, v19;
	v4 =	vadd.s32 s20, v57  }
0xe7: {  	v12 =	vor.u32 v3, v12;
	v40 =	vor.u32 v7, v8;
	v8 =	vld.idx.msk [tilespmem:v51+s4+$0x0], $0xffff;
	v4 =	vand.u32 $0x1FFF8, v4  }
0xe8: {  	v42 =	vadd.s32 $0xD, v30;
	v61 =	vadd.s32 s19, v57;
	v2 =	vld.idx.msk [tilespmem:v2+s4+$0x0], $0xffff;
	v4 =	vor.u32 v3, v4  }
0xe9: {  	v17 =	vand.u32 $0x1FFF8, v56;
	v63 =	vadd.s32 $0xA, v15;
	v18 =	vadd.s32 $0xA, v30  }
0xea: {  	v35 =	vadd.s32 $0xD, v31;
	v41 =	vand.u32 $0x1FFF8, v61;
	v50 =	vor.u32 v5, v59;
	v6 =	vld.idx.msk [tilespmem:v33+s4+$0x0], $0xffff;
	[tilespmem:v22+s10+$0x0] =	vst.idx.msk $0xffff, v60  }
0xeb: {  	v17 =	vor.u32 v5, v17;
	v61 =	vadd.s32 s21, v58;
	v62 =	vadd.s32 s21, v13;
	[tilespmem:v0+s10+$0x0] =	vst.idx.msk $0xffff, v10  }
0xec: {  	v16 =	vor.u32 v3, v41;
	v45 =	vadd.s32 $0xB, v31;
	v22 =	vand.u32 $0x1FFF8, v62;
	[tilespmem:v12+s10+$0x0] =	vst.idx.msk $0xffff, v8  }
0xed: {  	v54 =	vadd.s32 $0xB, v29;
	v33 =	vor.u32 v24, v22;
	v22 =	vld.idx.msk [tilespmem:v48+s4+$0x0], $0xffff;
	[tilespmem:v4+s10+$0x0] =	vst.idx.msk $0xffff, v2;
	v2 =	vadd.s32 s20, v39  }
0xee: {  	v37 =	vand.u32 $0x1FFF8, v61;
	v61 =	vadd.s32 s22, v32;
	v8 =	vld.idx.msk [tilespmem:v18+s4+$0x0], $0xffff;
	v2 =	vand.u32 $0x1FFF8, v2  }
0xef: {  	v52 =	vadd.s32 $0xB, v30;
	v44 =	vor.u32 v7, v37;
	v59 =	vld.idx.msk [tilespmem:v63+s4+$0x0], $0xffff;
	v2 =	vor.u32 v5, v2  }
0xf0: {  	v14 =	vadd.s32 s22, v58;
	v57 =	vadd.s32 s19, v13;
	v18 =	vadd.s32 $0xB, v15;
	v63 =	vld [tilespmem:$0x1FE50]  }
0xf1: {  	v37 =	vadd.s32 $0xC, v31;
	v14 =	vand.u32 $0x1FFF8, v14;
	v0 =	vand.u32 $0x1FFF8, v57;
	v57 =	vld [tilespmem:$0x1FF90]  }
0xf2: {  	v21 =	vadd.s32 $0xC, v29;
	v56 =	vor.u32 v7, v14;
	v14 =	vadd.s32 s22, v13  }
0xf3: {  	v19 =	vadd.s32 $0xC, v30;
	v14 =	vand.u32 $0x1FFF8, v14;
	v46 =	vld.idx.msk [tilespmem:v46+s4+$0x0], $0xffff;
	[tilespmem:v16+s10+$0x0] =	vst.idx.msk $0xffff, v22;
	v16 =	vadd.s32 s22, v36  }
0xf4: {  	v55 =	vld.idx.msk [tilespmem:v55+s4+$0x0], $0xffff;
	v41 =	vor.u32 v24, v14;
	v16 =	vand.u32 $0x1FFF8, v16;
	[tilespmem:v2+s10+$0x0] =	vst.idx.msk $0xffff, v59;
	v2 =	vadd.s32 s20, v58  }
0xf5: {  	v14 =	vadd.s32 $0xD, v29;
	v62 =	vor.u32 v28, v16;
	v16 =	vld.idx.msk [tilespmem:v18+s4+$0x0], $0xffff;
	v18 =	vand.u32 $0x1FFF8, v2  }
0xf6: {  	v53 =	vor.u32 v24, v0;
	v38 =	vld.idx.msk [tilespmem:v38+s4+$0x0], $0xffff;
	v0 =	vadd.s32 s22, v57;
	v18 =	vor.u32 v7, v18  }
0xf7: {  	v48 =	vadd.s32 $0xF, v29;
	v4 =	vadd.s32 s19, v57;
	v10 =	vadd.s32 s21, v57;
	v23 =	vld.idx.msk [tilespmem:v23+s4+$0x0], $0xffff;
	[tilespmem:v20+s10+$0x0] =	vst.idx.msk $0xffff, v8  }
0xf8: {  	v51 =	vmovc v36;
	v0 =	vand.u32 $0x1FFF8, v0;
	v4 =	vand.u32 $0x1FFF8, v4;
	v36 =	vadd.s32 s19, v36;
	[tilespmem:v63+s10+$0x0] =	vst.idx.msk $0xffff, v6  }
0xf9: {  	v4 =	vor.u32 v26, v4;
	v36 =	vand.u32 $0x1FFF8, v36;
	v8 =	vadd.s32 $0xF, v30;
	v20 =	vld.idx.msk [tilespmem:v52+s4+$0x0], $0xffff;
	[tilespmem:v47+s10+$0x0] =	vst.idx.msk $0xffff, v55  }
0xfa: {  	[tilespmem:v43+s10+$0x0] =	vst.idx.msk $0xffff, v46;
	v46 =	vadd.s32 s19, v11;
	v52 =	vadd.s32 s19, v27;
	v59 =	vadd.s32 $0xF, v31;
	v39 =	vld.idx.msk [tilespmem:v49+s4+$0x0], $0xffff  }
0xfb: {  	v2 =	vor.u32 v28, v36;
	v36 =	vadd.s32 $0xC, v15;
	[tilespmem:v18+s10+$0x0] =	vst.idx.msk $0xffff, v16;
	v16 =	vadd.s32 s20, v13;
	v13 =	vld [tilespmem:$0x1FE60]  }
0xfc: {  	v58 =	vadd.s32 s19, v32;
	v6 =	vand.u32 $0x1FFF8, v10;
	v10 =	vor.u32 v26, v0;
	[tilespmem:v17+s10+$0x0] =	vst.idx.msk $0xffff, v23  }
0xfd: {  	v63 =	vadd.s32 $0xE, v31;
	v0 =	vadd.s32 $0xE, v29;
	v17 =	vand.u32 $0x1FFF8, v58;
	v43 =	vld.idx.msk [tilespmem:v45+s4+$0x0], $0xffff  }
0xfe: {  	v23 =	vand.u32 $0x1FFF8, v52;
	v52 =	vadd.s32 $0x11, v31;
	v12 =	vor.u32 v26, v6  }
0xff: {  	v6 =	vadd.s32 $0xE, v30;
	v47 =	vadd.s32 s21, v51;
	v22 =	vld.idx.msk [tilespmem:v34+s4+$0x0], $0xffff;
	v16 =	vand.u32 $0x1FFF8, v16  }
0x100: {  	v58 =	vor.u32 v25, v17;
	v18 =	vld.idx.msk [tilespmem:v36+s4+$0x0], $0xffff;
	[tilespmem:v50+s10+$0x0] =	vst.idx.msk $0xffff, v39;
	v16 =	vor.u32 v24, v16  }
0x101: {  	v17 =	vadd.s32 s22, v27;
	v55 =	vand.u32 $0x1FFF8, v47;
	v49 =	vadd.s32 s21, v32;
	v34 =	vld.idx.msk [tilespmem:v54+s4+$0x0], $0xffff  }
0x102: {  	v17 =	vand.u32 $0x1FFF8, v17;
	v60 =	vor.u32 v28, v55;
	v51 =	vand.u32 $0x1FFF8, v49;
	[tilespmem:v40+s10+$0x0] =	vst.idx.msk $0xffff, v43  }
0x103: {  	v55 =	vadd.s32 $0x10, v31;
	v47 =	vor.u32 v1, v17;
	v50 =	vand.u32 $0x1FFF8, v61;
	[tilespmem:v13+s10+$0x0] =	vst.idx.msk $0xffff, v38;
	v13 =	vld [tilespmem:$0x1FE70]  }
0x104: {  	v49 =	vadd.s32 $0x11, v30;
	v24 =	vadd.s32 $0xD, v15;
	v61 =	vor.u32 v25, v50;
	[tilespmem:v56+s10+$0x0] =	vst.idx.msk $0xffff, v20  }
0x105: {  	v40 =	vadd.s32 $0x11, v29;
	v54 =	vor.u32 v25, v51;
	v51 =	vadd.s32 $0x10, v30;
	[tilespmem:v16+s10+$0x0] =	vst.idx.msk $0xffff, v18;
	v19 =	vld.idx.msk [tilespmem:v19+s4+$0x0], $0xffff  }
0x106: {  	v50 =	vadd.s32 $0x10, v29;
	v16 =	vadd.s32 s20, v57;
	v18 =	vand.u32 $0x1FFF8, v46;
	[tilespmem:v44+s10+$0x0] =	vst.idx.msk $0xffff, v34  }
0x107: {  	v38 =	vadd.s32 s22, v11;
	v44 =	vadd.s32 s21, v11;
	v16 =	vand.u32 $0x1FFF8, v16;
	v17 =	vld.idx.msk [tilespmem:v21+s4+$0x0], $0xffff  }
0x108: {  	s23 =	sadd.s32 $0x4, s23;
	v25 =	vld.idx.msk [tilespmem:v37+s4+$0x0], $0xffff;
	v39 =	vor.u32 v3, v18;
	v56 =	vadd.s32 s21, v27;
	v21 =	vand.u32 $0x1FFF8, v38  }
0x109: {  	p1 =	slt.u32 s23, $0x7C;
	v36 =	vld.idx.msk [tilespmem:v24+s4+$0x0], $0xffff;
	v57 =	vand.u32 $0x1FFF8, v44;
	v44 =	vadd.s32 $0x12, v31;
	v38 =	vor.u32 v26, v16  }
.Ltmp0:
0x10a: {  	v20 =	vand.u32 $0x1FFF8, v56;
	v56 =	vor.u32 v1, v23;
	v37 =	vor.u32 v3, v57;
	[tilespmem:v41+s10+$0x0] =	vst.idx.msk $0xffff, v19;
	(pc) =	sbr.rel @p1 .LBB2_3-.Ltmp0, $4  }
0x10b: {  	v16 =	vadd.s32 $0xE, v15;
	v45 =	vor.u32 v1, v20;
	v41 =	vor.u32 v3, v21;
	[tilespmem:v13+s10+$0x0] =	vst.idx.msk $0xffff, v22  }
0x10c: {  	v19 =	vadd.s32 s21, v9;
	v34 =	vld.idx.msk [tilespmem:v42+s4+$0x0], $0xffff;
	v42 =	vadd.s32 $0x12, v30;
	[tilespmem:v33+s10+$0x0] =	vst.idx.msk $0xffff, v17;
	v17 =	vadd.s32 s22, v9  }
0x10d: {  	[tilespmem:v53+s10+$0x0] =	vst.idx.msk $0xffff, v25;
	v33 =	vadd.s32 $0x12, v29;
	v43 =	vld.idx.msk [tilespmem:v14+s4+$0x0], $0xffff;
	v14 =	vadd.s32 s19, v9;
	v18 =	vand.u32 $0x1FFF8, v17  }
0x10e: {  	s24 =	sadd.s32 $0x40, s24;
	v17 =	vld.idx.msk [tilespmem:v35+s4+$0x0], $0xffff;
	v32 =	vand.u32 $0x1FFF8, v14;
	v35 =	vor.u32 v5, v18;
	v14 =	vand.u32 $0x1FFF8, v19  }
0x10f: {  	_ =	sdelay $0x2  }
0x110: {  	v26 =	vld [tilespmem:$0x1FF80]  }
0x111: {  	[tilespmem:v38+s10+$0x0] =	vst.idx.msk $0xffff, v36  }
0x112: {  	v11 =	vld [tilespmem:$0x1FF40];
	_ =	sdelay $0x2  }
0x113: {  	v18 =	vadd.s32 s20, v26  }
0x114: {  	v18 =	vand.u32 $0x1FFF8, v18  }
0x115: {  	v16 =	vld.idx.msk [tilespmem:v16+s4+$0x0], $0xffff;
	[tilespmem:v4+s10+$0x0] =	vst.idx.msk $0xffff, v17;
	v18 =	vor.u32 v11, v18  }
0x116: {  	[tilespmem:v10+s10+$0x0] =	vst.idx.msk $0xffff, v34;
	v10 =	vld.idx.msk [tilespmem:v63+s4+$0x0], $0xffff  }
0x117: {  	[tilespmem:v12+s10+$0x0] =	vst.idx.msk $0xffff, v43;
	v6 =	vld.idx.msk [tilespmem:v6+s4+$0x0], $0xffff  }
0x118: {  	v0 =	vld.idx.msk [tilespmem:v0+s4+$0x0], $0xffff  }
0x119: {  	v27 =	vld [tilespmem:$0x1FF10]  }
0x11a: {  	[tilespmem:v18+s10+$0x0] =	vst.idx.msk $0xffff, v16  }
0x11b: {  	v4 =	vadd.s32 $0xF, v15;
	v9 =	vld [tilespmem:$0x1FF70];
	[tilespmem:v2+s10+$0x0] =	vst.idx.msk $0xffff, v10  }
0x11c: {  	[tilespmem:v62+s10+$0x0] =	vst.idx.msk $0xffff, v6;
	v6 =	vld.idx.msk [tilespmem:v59+s4+$0x0], $0xffff  }
0x11d: {  	[tilespmem:v60+s10+$0x0] =	vst.idx.msk $0xffff, v0;
	v8 =	vld.idx.msk [tilespmem:v8+s4+$0x0], $0xffff  }
0x11e: {  	v12 =	vadd.s32 s20, v27;
	v0 =	vld.idx.msk [tilespmem:v48+s4+$0x0], $0xffff  }
0x11f: {  	v12 =	vand.u32 $0x1FFF8, v12;
	v10 =	vld [tilespmem:$0x1FF20]  }
0x120: {  	v4 =	vld.idx.msk [tilespmem:v4+s4+$0x0], $0xffff;
	v12 =	vor.u32 v9, v12  }
0x121: {  	v2 =	vadd.s32 $0x10, v15  }
0x122: {  	[tilespmem:v58+s10+$0x0] =	vst.idx.msk $0xffff, v6  }
0x123: {  	[tilespmem:v61+s10+$0x0] =	vst.idx.msk $0xffff, v8;
	v8 =	vld.idx.msk [tilespmem:v55+s4+$0x0], $0xffff  }
0x124: {  	v10 =	vadd.s32 s20, v10;
	[tilespmem:v54+s10+$0x0] =	vst.idx.msk $0xffff, v0;
	v0 =	vld.idx.msk [tilespmem:v51+s4+$0x0], $0xffff  }
0x125: {  	[tilespmem:v12+s10+$0x0] =	vst.idx.msk $0xffff, v4;
	v4 =	vand.u32 $0x1FFF8, v10;
	v10 =	vld.idx.msk [tilespmem:v50+s4+$0x0], $0xffff  }
0x126: {  	v2 =	vld.idx.msk [tilespmem:v2+s4+$0x0], $0xffff  }
0x127: {  	v4 =	vor.u32 v1, v4;
	v12 =	vld [tilespmem:$0x1FF30]  }
0x128: {  	v6 =	vadd.s32 $0x11, v15  }
0x129: {  	[tilespmem:v56+s10+$0x0] =	vst.idx.msk $0xffff, v8  }
0x12a: {  	[tilespmem:v47+s10+$0x0] =	vst.idx.msk $0xffff, v0;
	v8 =	vld.idx.msk [tilespmem:v52+s4+$0x0], $0xffff  }
0x12b: {  	v0 =	vld.idx.msk [tilespmem:v49+s4+$0x0], $0xffff;
	[tilespmem:v45+s10+$0x0] =	vst.idx.msk $0xffff, v10  }
0x12c: {  	v12 =	vadd.s32 s20, v12;
	[tilespmem:v4+s10+$0x0] =	vst.idx.msk $0xffff, v2;
	v10 =	vld.idx.msk [tilespmem:v40+s4+$0x0], $0xffff  }
0x12d: {  	v2 =	vand.u32 $0x1FFF8, v12;
	v4 =	vld.idx.msk [tilespmem:v6+s4+$0x0], $0xffff  }
0x12e: {  	v12 =	vld [tilespmem:$0x1FF50];
	v2 =	vor.u32 v3, v2;
	_ =	sdelay $0x1  }
0x12f: {  	v6 =	vadd.s32 $0x12, v15;
	[tilespmem:v39+s10+$0x0] =	vst.idx.msk $0xffff, v8  }
0x130: {  	[tilespmem:v41+s10+$0x0] =	vst.idx.msk $0xffff, v0  }
0x131: {  	[tilespmem:v37+s10+$0x0] =	vst.idx.msk $0xffff, v10  }
0x132: {  	v12 =	vadd.s32 s20, v12;
	[tilespmem:v2+s10+$0x0] =	vst.idx.msk $0xffff, v4  }
0x133: {  	v2 =	vand.u32 $0x1FFF8, v12;
	v21 =	vld [tilespmem:$0x1FF00]  }
0x134: {  	v4 =	vld.idx.msk [tilespmem:v6+s4+$0x0], $0xffff;
	v2 =	vor.u32 v5, v2  }
0x135: {  	v8 =	vadd.s32 $0x13, v15;
	v12 =	vld.idx.msk [tilespmem:v44+s4+$0x0], $0xffff;
	v6 =	vor.u32 v5, v32  }
0x136: {  	v0 =	vadd.s32 $0x13, v31;
	v16 =	vld.idx.msk [tilespmem:v42+s4+$0x0], $0xffff  }
0x137: {  	v10 =	vor.u32 v5, v14;
	v14 =	vadd.s32 $0x13, v30;
	v17 =	vld.idx.msk [tilespmem:v33+s4+$0x0], $0xffff  }
0x138: {  	v18 =	vadd.s32 $0x13, v29;
	v19 =	vadd.s32 s20, v21  }
0x139: {  	v20 =	vadd.s32 s19, v21;
	[tilespmem:v2+s10+$0x0] =	vst.idx.msk $0xffff, v4;
	v2 =	vand.u32 $0x1FFF8, v19  }
0x13a: {  	v4 =	vadd.s32 s22, v21;
	[tilespmem:v6+s10+$0x0] =	vst.idx.msk $0xffff, v12;
	v19 =	vand.u32 $0x1FFF8, v20;
	v8 =	vld.idx.msk [tilespmem:v8+s4+$0x0], $0xffff;
	v2 =	vor.u32 v7, v2  }
0x13b: {  	[tilespmem:v35+s10+$0x0] =	vst.idx.msk $0xffff, v16;
	v6 =	vadd.s32 s21, v21;
	v4 =	vand.u32 $0x1FFF8, v4;
	v0 =	vld.idx.msk [tilespmem:v0+s4+$0x0], $0xffff;
	v12 =	vor.u32 v7, v19  }
0x13c: {  	[tilespmem:v10+s10+$0x0] =	vst.idx.msk $0xffff, v17;
	v10 =	vld.idx.msk [tilespmem:v14+s4+$0x0], $0xffff;
	v6 =	vand.u32 $0x1FFF8, v6;
	v4 =	vor.u32 v7, v4  }
0x13d: {  	v14 =	vld.idx.msk [tilespmem:v18+s4+$0x0], $0xffff;
	v6 =	vor.u32 v7, v6;
	_ =	sdelay $0x1  }
0x13e: {  	s18 =	smul.u32 $0x14, s18;
	[tilespmem:v2+s10+$0x0] =	vst.idx.msk $0xffff, v8  }
0x13f: {  	[tilespmem:v12+s10+$0x0] =	vst.idx.msk $0xffff, v0  }
0x140: {  	s18 =	sshrl.u32 s18, $0x3;
	[tilespmem:v4+s10+$0x0] =	vst.idx.msk $0xffff, v10  }
0x141: {  	s18 =	sadd.s32 s3, s18;
	[tilespmem:v6+s10+$0x0] =	vst.idx.msk $0xffff, v14  }
0x142: {  	[hbm4b:s18+s4] =	stream.linear.scatter [tilespmem:s10], [sflag:$0x1], $0xA000, $0x38;
	[tilespmem:$0x151D0] =	vst v63  }
0x143: {  	s17 =	sadd.s32 s17, s6;
	s18 =	simm.s32 @!p0 $0x2  }
0x144: {  	s17 =	sadd.s32 $0x800, s17;
	_ =	swait.ge @!p0 [sflag:s18], $0xA000  }
0x145: {  	s30 =	sshrl.u32 s17, $0x3;
	[sflag:s18] =	ssyncset.done @!p0 $0x0  }
0x146: {  	s19 =	sadd.s32 s1, s30;
	[sflag:s18] =	ssyncadd.s32 @!p0 $0xFFFF6000;
	s18 =	simm.s32 $0x0  }
0x147: {  	[tilespmem:s11], [sflag:$0x3] =	stream.linear.gather [hbm4b:s19+s18], $0x800, $0x38;
	[tilespmem:$0x151D0] =	vst v63  }
0x148: {  	_ =	swait.ge [sflag:s8], $0x800  }
0x149: {  	[sflag:s8] =	ssyncset.done $0x0  }
0x14a: {  	s31 =	simm.s32 $0x9F0;
	[sflag:s8] =	ssyncadd.s32 $0xFFFFF800  }
0x14b: {  	v6 =	vld [tilespmem:s31+$0xFFFFFFE0]  }
0x14c: {  	v0 =	vld [tilespmem:s31+$0x10]  }
0x14d: {  	v2 =	vld [tilespmem:s31+$0xFFFFFFF0]  }
0x14e: {  	v4 =	vld [tilespmem:s31+$0x0];
	_ =	sdelay $0x1  }
0x14f: {  	v31 =	vmul.u32 $0x14, v6;
	v6 =	vld [tilespmem:$0x1FEF0]  }
0x150: {  	v28 =	vmul.u32 $0x14, v0  }
0x151: {  	v30 =	vmul.u32 $0x14, v2  }
0x152: {  	v29 =	vmul.u32 $0x14, v4  }
0x153: {  	s19 =	simm.s32 $0x3C0  }
0x154: {  	s21 =	simm.s32 $0x140;
	v19 =	vld [tilespmem:$0x1FE80];
	v4 =	vadd.s32 s19, v6  }
0x155: {  	s20 =	simm.s32 $0x280;
	v0 =	vadd.s32 s18, v6;
	v2 =	vadd.s32 s21, v6;
	v4 =	vand.u32 $0x1FFF8, v4  }
0x156: {  	v6 =	vadd.s32 s20, v6;
	v2 =	vand.u32 $0x1FFF8, v2;
	v52 =	vld.idx.msk [tilespmem:v28+s4+$0x0], $0xffff;
	v4 =	vor.u32 v1, v4  }
0x157: {  	v8 =	vor.u32 $0x1, v28;
	v6 =	vand.u32 $0x1FFF8, v6;
	v22 =	vld.idx.msk [tilespmem:v30+s4+$0x0], $0xffff;
	v2 =	vor.u32 v1, v2  }
0x158: {  	v12 =	vor.u32 $0x1, v30;
	v53 =	vld.idx.msk [tilespmem:v29+s4+$0x0], $0xffff;
	v6 =	vor.u32 v1, v6  }
0x159: {  	v16 =	vadd.s32 s21, v19;
	v17 =	vadd.s32 s20, v19;
	v14 =	vor.u32 $0x1, v29  }
0x15a: {  	v25 =	vld [tilespmem:$0x1FE90];
	v18 =	vadd.s32 s18, v19;
	v19 =	vadd.s32 s19, v19;
	v0 =	vand.u32 $0x1FFF8, v0  }
0x15b: {  	v19 =	vand.u32 $0x1FFF8, v19;
	v59 =	vld.idx.msk [tilespmem:v31+s4+$0x0], $0xffff;
	v0 =	vor.u32 v1, v0;
	[tilespmem:v4+s12+$0x0] =	vst.idx.msk $0xffff, v52  }
0x15c: {  	v16 =	vand.u32 $0x1FFF8, v16;
	v19 =	vor.u32 v3, v19;
	v10 =	vor.u32 $0x1, v31;
	[tilespmem:v2+s12+$0x0] =	vst.idx.msk $0xffff, v22;
	v8 =	vld.idx.msk [tilespmem:v8+s4+$0x0], $0xffff  }
0x15d: {  	v17 =	vand.u32 $0x1FFF8, v17;
	v16 =	vor.u32 v3, v16;
	v23 =	vor.u32 $0x2, v28;
	[tilespmem:v6+s12+$0x0] =	vst.idx.msk $0xffff, v53;
	v12 =	vld.idx.msk [tilespmem:v12+s4+$0x0], $0xffff  }
0x15e: {  	v17 =	vor.u32 v3, v17;
	v54 =	vor.u32 $0x2, v30;
	v14 =	vld.idx.msk [tilespmem:v14+s4+$0x0], $0xffff;
	_ =	sdelay $0x1  }
0x15f: {  	v55 =	vadd.s32 s21, v25;
	v57 =	vadd.s32 s18, v25;
	v18 =	vand.u32 $0x1FFF8, v18;
	v45 =	vld [tilespmem:$0x1FEA0];
	[tilespmem:v0+s12+$0x0] =	vst.idx.msk $0xffff, v59  }
0x160: {  	v18 =	vor.u32 v3, v18;
	v56 =	vor.u32 $0x2, v29;
	v4 =	vadd.s32 s19, v25;
	v10 =	vld.idx.msk [tilespmem:v10+s4+$0x0], $0xffff;
	[tilespmem:v19+s12+$0x0] =	vst.idx.msk $0xffff, v8  }
0x161: {  	v58 =	vadd.s32 s20, v25;
	v34 =	vand.u32 $0x1FFF8, v55;
	v4 =	vand.u32 $0x1FFF8, v4;
	[tilespmem:v16+s12+$0x0] =	vst.idx.msk $0xffff, v12;
	v23 =	vld.idx.msk [tilespmem:v23+s4+$0x0], $0xffff  }
0x162: {  	v60 =	vand.u32 $0x1FFF8, v57;
	v21 =	vor.u32 $0x2, v31;
	v2 =	vor.u32 v5, v4;
	[tilespmem:v17+s12+$0x0] =	vst.idx.msk $0xffff, v14;
	v33 =	vld.idx.msk [tilespmem:v54+s4+$0x0], $0xffff  }
0x163: {  	v61 =	vand.u32 $0x1FFF8, v58;
	v34 =	vor.u32 v5, v34;
	v6 =	vor.u32 $0x3, v28;
	v13 =	vld [tilespmem:$0x1FEB0]  }
0x164: {  	v63 =	vor.u32 v5, v61;
	v20 =	vor.u32 v5, v60  }
0x165: {  	v62 =	vor.u32 $0x3, v31;
	v44 =	vor.u32 $0x3, v29;
	v57 =	vadd.s32 $0x5, v28;
	v35 =	vld.idx.msk [tilespmem:v56+s4+$0x0], $0xffff;
	[tilespmem:v18+s12+$0x0] =	vst.idx.msk $0xffff, v10  }
0x166: {  	v36 =	vadd.s32 $0x7, v29;
	v4 =	vor.u32 $0x3, v30;
	v50 =	vadd.s32 s19, v45;
	v25 =	vld [tilespmem:$0x1FEC0]  }
0x167: {  	v53 =	vadd.s32 $0x4, v28;
	v46 =	vadd.s32 s21, v45;
	v38 =	vand.u32 $0x1FFF8, v50;
	v21 =	vld.idx.msk [tilespmem:v21+s4+$0x0], $0xffff;
	[tilespmem:v2+s12+$0x0] =	vst.idx.msk $0xffff, v23  }
0x168: {  	v47 =	vadd.s32 s20, v45;
	v52 =	vor.u32 v7, v38;
	v14 =	vadd.s32 s21, v13;
	[tilespmem:v34+s12+$0x0] =	vst.idx.msk $0xffff, v33;
	v6 =	vld.idx.msk [tilespmem:v6+s4+$0x0], $0xffff  }
0x169: {  	v54 =	vadd.s32 s20, v13;
	v55 =	vadd.s32 s18, v13;
	v18 =	vadd.s32 s19, v13;
	v13 =	vld [tilespmem:$0x1FED0]  }
0x16a: {  	v48 =	vadd.s32 s18, v45;
	v8 =	vadd.s32 $0x4, v31;
	v16 =	vadd.s32 $0x4, v30  }
0x16b: {  	v17 =	vadd.s32 $0x4, v29;
	v0 =	vand.u32 $0x1FFF8, v46;
	v49 =	vand.u32 $0x1FFF8, v47;
	v4 =	vld.idx.msk [tilespmem:v4+s4+$0x0], $0xffff;
	[tilespmem:v63+s12+$0x0] =	vst.idx.msk $0xffff, v35  }
0x16c: {  	v51 =	vand.u32 $0x1FFF8, v48;
	v46 =	vadd.s32 $0xA, v29;
	v0 =	vor.u32 v7, v0;
	v32 =	vld.idx.msk [tilespmem:v44+s4+$0x0], $0xffff  }
0x16d: {  	v19 =	vor.u32 v7, v49;
	v12 =	vor.u32 v7, v51;
	v49 =	vadd.s32 $0x6, v28;
	v15 =	vld [tilespmem:$0x1FEE0];
	[tilespmem:v20+s12+$0x0] =	vst.idx.msk $0xffff, v21  }
0x16e: {  	v2 =	vadd.s32 $0x5, v31;
	v18 =	vand.u32 $0x1FFF8, v18;
	v61 =	vld.idx.msk [tilespmem:v62+s4+$0x0], $0xffff;
	v56 =	vadd.s32 s21, v13;
	[tilespmem:v52+s12+$0x0] =	vst.idx.msk $0xffff, v6  }
0x16f: {  	v58 =	vadd.s32 s18, v13;
	v59 =	vadd.s32 s20, v13;
	v47 =	vadd.s32 s19, v13;
	v13 =	vld [tilespmem:$0x1FFF0]  }
0x170: {  	v23 =	vadd.s32 $0x5, v30;
	v34 =	vadd.s32 $0x5, v29;
	v18 =	vor.u32 v25, v18;
	v38 =	vld.idx.msk [tilespmem:v53+s4+$0x0], $0xffff  }
0x171: {  	v14 =	vand.u32 $0x1FFF8, v14;
	v39 =	vand.u32 $0x1FFF8, v54;
	v10 =	vand.u32 $0x1FFF8, v55;
	[tilespmem:v0+s12+$0x0] =	vst.idx.msk $0xffff, v4  }
0x172: {  	v14 =	vor.u32 v25, v14;
	v10 =	vor.u32 v25, v10;
	[tilespmem:v19+s12+$0x0] =	vst.idx.msk $0xffff, v32;
	v16 =	vld.idx.msk [tilespmem:v16+s4+$0x0], $0xffff  }
0x173: {  	v63 =	vadd.s32 $0x6, v29;
	v39 =	vor.u32 v25, v39;
	v21 =	vadd.s32 $0x6, v31;
	v17 =	vld.idx.msk [tilespmem:v17+s4+$0x0], $0xffff;
	[tilespmem:v12+s12+$0x0] =	vst.idx.msk $0xffff, v61  }
0x174: {  	v62 =	vadd.s32 $0x6, v30;
	v33 =	vand.u32 $0x1FFF8, v56;
	v22 =	vand.u32 $0x1FFF8, v58;
	v8 =	vld.idx.msk [tilespmem:v8+s4+$0x0], $0xffff  }
0x175: {  	v35 =	vand.u32 $0x1FFF8, v59;
	v42 =	vand.u32 $0x1FFF8, v47;
	v24 =	vld [tilespmem:$0x1FFE0];
	v6 =	vadd.s32 s21, v13;
	[tilespmem:v18+s12+$0x0] =	vst.idx.msk $0xffff, v38  }
0x176: {  	v33 =	vor.u32 v15, v33;
	v4 =	vand.u32 $0x1FFF8, v6;
	v6 =	vor.u32 v15, v42;
	v40 =	vld.idx.msk [tilespmem:v57+s4+$0x0], $0xffff  }
0x177: {  	v56 =	vadd.s32 $0x7, v28;
	v20 =	vor.u32 v15, v22;
	v60 =	vor.u32 v15, v35;
	[tilespmem:v14+s12+$0x0] =	vst.idx.msk $0xffff, v16  }
0x178: {  	v12 =	vadd.s32 $0x7, v31;
	v35 =	vadd.s32 $0x7, v30;
	v0 =	vadd.s32 s18, v13;
	[tilespmem:v39+s12+$0x0] =	vst.idx.msk $0xffff, v17;
	v23 =	vld.idx.msk [tilespmem:v23+s4+$0x0], $0xffff  }
0x179: {  	v48 =	vadd.s32 s20, v13;
	v54 =	vadd.s32 s19, v13;
	v0 =	vand.u32 $0x1FFF8, v0;
	v34 =	vld.idx.msk [tilespmem:v34+s4+$0x0], $0xffff;
	[tilespmem:v10+s12+$0x0] =	vst.idx.msk $0xffff, v8  }
0x17a: {  	v19 =	vand.u32 $0x1FFF8, v48;
	v43 =	vand.u32 $0x1FFF8, v54;
	v14 =	vadd.s32 $0x8, v31;
	v13 =	vld [tilespmem:$0x1FFC0]  }
0x17b: {  	v39 =	vadd.s32 $0x8, v30;
	v48 =	vadd.s32 $0xB, v29;
	v0 =	vor.u32 v11, v0;
	v2 =	vld.idx.msk [tilespmem:v2+s4+$0x0], $0xffff;
	[tilespmem:v6+s12+$0x0] =	vst.idx.msk $0xffff, v40  }
0x17c: {  	v4 =	vor.u32 v11, v4;
	v19 =	vor.u32 v11, v19;
	v55 =	vor.u32 v11, v43;
	v32 =	vld.idx.msk [tilespmem:v49+s4+$0x0], $0xffff  }
0x17d: {  	v50 =	vadd.s32 s18, v24;
	v51 =	vadd.s32 s21, v24;
	v52 =	vadd.s32 s20, v24;
	[tilespmem:v33+s12+$0x0] =	vst.idx.msk $0xffff, v23  }
0x17e: {  	v10 =	vadd.s32 $0x8, v29;
	v59 =	vadd.s32 s19, v24;
	v18 =	vand.u32 $0x1FFF8, v51;
	[tilespmem:v60+s12+$0x0] =	vst.idx.msk $0xffff, v34;
	v37 =	vld.idx.msk [tilespmem:v62+s4+$0x0], $0xffff  }
0x17f: {  	v53 =	vand.u32 $0x1FFF8, v52;
	v42 =	vand.u32 $0x1FFF8, v50;
	v44 =	vand.u32 $0x1FFF8, v59;
	v41 =	vld.idx.msk [tilespmem:v63+s4+$0x0], $0xffff  }
0x180: {  	v50 =	vadd.s32 $0xB, v31;
	v18 =	vor.u32 v9, v18;
	v16 =	vor.u32 v9, v53;
	v24 =	vld [tilespmem:$0x1FFD0];
	[tilespmem:v20+s12+$0x0] =	vst.idx.msk $0xffff, v2  }
0x181: {  	v17 =	vor.u32 v9, v42;
	v44 =	vor.u32 v9, v44;
	v21 =	vld.idx.msk [tilespmem:v21+s4+$0x0], $0xffff;
	[tilespmem:v55+s12+$0x0] =	vst.idx.msk $0xffff, v32  }
0x182: {  	v42 =	vadd.s32 $0xA, v30;
	v23 =	vadd.s32 $0x9, v30;
	v33 =	vadd.s32 $0x9, v29;
	v38 =	vld.idx.msk [tilespmem:v56+s4+$0x0], $0xffff  }
0x183: {  	v8 =	vadd.s32 s21, v13;
	v57 =	vadd.s32 s20, v13;
	v58 =	vadd.s32 s18, v13;
	v51 =	vld [tilespmem:$0x1FFA0];
	[tilespmem:v4+s12+$0x0] =	vst.idx.msk $0xffff, v37  }
0x184: {  	v63 =	vadd.s32 $0x8, v28;
	v8 =	vand.u32 $0x1FFF8, v8;
	v43 =	vand.u32 $0x1FFF8, v57;
	[tilespmem:v19+s12+$0x0] =	vst.idx.msk $0xffff, v41;
	v35 =	vld.idx.msk [tilespmem:v35+s4+$0x0], $0xffff  }
0x185: {  	v6 =	vand.u32 $0x1FFF8, v58;
	v57 =	vadd.s32 s19, v13;
	v8 =	vor.u32 v1, v8;
	v36 =	vld.idx.msk [tilespmem:v36+s4+$0x0], $0xffff  }
0x186: {  	v40 =	vor.u32 v1, v43;
	v6 =	vor.u32 v1, v6;
	v47 =	vand.u32 $0x1FFF8, v57;
	[tilespmem:v0+s12+$0x0] =	vst.idx.msk $0xffff, v21  }
0x187: {  	v49 =	vadd.s32 s18, v26;
	v43 =	vadd.s32 $0x9, v31;
	v58 =	vor.u32 v1, v47;
	v12 =	vld.idx.msk [tilespmem:v12+s4+$0x0], $0xffff;
	[tilespmem:v44+s12+$0x0] =	vst.idx.msk $0xffff, v38  }
0x188: {  	v47 =	vadd.s32 $0xB, v30;
	v32 =	vadd.s32 $0xA, v31;
	v60 =	vadd.s32 s21, v24;
	v52 =	vld [tilespmem:$0x1FFB0]  }
0x189: {  	v61 =	vadd.s32 s20, v24;
	v2 =	vadd.s32 s18, v24;
	v62 =	vand.u32 $0x1FFF8, v60;
	v22 =	vld.idx.msk [tilespmem:v63+s4+$0x0], $0xffff;
	[tilespmem:v18+s12+$0x0] =	vst.idx.msk $0xffff, v35  }
0x18a: {  	v2 =	vand.u32 $0x1FFF8, v2;
	v34 =	vand.u32 $0x1FFF8, v61;
	v0 =	vadd.s32 $0x9, v28;
	[tilespmem:v16+s12+$0x0] =	vst.idx.msk $0xffff, v36;
	v39 =	vld.idx.msk [tilespmem:v39+s4+$0x0], $0xffff  }
0x18b: {  	v61 =	vadd.s32 s19, v24;
	v24 =	vadd.s32 $0xD, v31;
	v21 =	vadd.s32 $0xD, v30;
	v10 =	vld.idx.msk [tilespmem:v10+s4+$0x0], $0xffff  }
0x18c: {  	v20 =	vor.u32 v3, v62;
	v2 =	vor.u32 v3, v2;
	v55 =	vadd.s32 s21, v51;
	[tilespmem:v17+s12+$0x0] =	vst.idx.msk $0xffff, v12  }
0x18d: {  	v34 =	vor.u32 v3, v34;
	v4 =	vadd.s32 s18, v51;
	v45 =	vand.u32 $0x1FFF8, v55;
	v12 =	vld.idx.msk [tilespmem:v14+s4+$0x0], $0xffff  }
0x18e: {  	v56 =	vadd.s32 s20, v51;
	v4 =	vand.u32 $0x1FFF8, v4;
	v19 =	vor.u32 v5, v45;
	v13 =	vld [tilespmem:$0x1FF60];
	[tilespmem:v58+s12+$0x0] =	vst.idx.msk $0xffff, v22  }
0x18f: {  	v37 =	vand.u32 $0x1FFF8, v56;
	v45 =	vor.u32 v5, v4;
	v4 =	vadd.s32 s18, v52;
	v0 =	vld.idx.msk [tilespmem:v0+s4+$0x0], $0xffff;
	[tilespmem:v8+s12+$0x0] =	vst.idx.msk $0xffff, v39  }
0x190: {  	v36 =	vadd.s32 $0xC, v31;
	v63 =	vadd.s32 $0xA, v28;
	v4 =	vand.u32 $0x1FFF8, v4;
	[tilespmem:v40+s12+$0x0] =	vst.idx.msk $0xffff, v10;
	v8 =	vld.idx.msk [tilespmem:v23+s4+$0x0], $0xffff  }
0x191: {  	v37 =	vor.u32 v5, v37;
	v16 =	vor.u32 v7, v4;
	v4 =	vand.u32 $0x1FFF8, v61;
	v33 =	vld.idx.msk [tilespmem:v33+s4+$0x0], $0xffff  }
0x192: {  	v17 =	vadd.s32 $0xC, v30;
	v59 =	vadd.s32 s21, v52;
	v55 =	vld [tilespmem:$0x1FF90];
	[tilespmem:v6+s12+$0x0] =	vst.idx.msk $0xffff, v12;
	v4 =	vor.u32 v3, v4  }
0x193: {  	v60 =	vadd.s32 s20, v52;
	v58 =	vadd.s32 s19, v51;
	v38 =	vand.u32 $0x1FFF8, v59;
	v59 =	vld.idx.msk [tilespmem:v43+s4+$0x0], $0xffff  }
0x194: {  	v51 =	vadd.s32 s20, v26;
	v44 =	vand.u32 $0x1FFF8, v60;
	v40 =	vand.u32 $0x1FFF8, v58  }
0x195: {  	v58 =	vand.u32 $0x1FFF8, v51;
	v51 =	vadd.s32 $0x10, v30;
	v18 =	vor.u32 v7, v38;
	[tilespmem:v20+s12+$0x0] =	vst.idx.msk $0xffff, v8  }
0x196: {  	v35 =	vor.u32 v7, v44;
	v38 =	vadd.s32 $0xC, v29;
	v14 =	vadd.s32 s21, v13;
	[tilespmem:v34+s12+$0x0] =	vst.idx.msk $0xffff, v33;
	v20 =	vld.idx.msk [tilespmem:v42+s4+$0x0], $0xffff  }
0x197: {  	v62 =	vadd.s32 s20, v13;
	v56 =	vadd.s32 s18, v13;
	v23 =	vadd.s32 $0xD, v29;
	[tilespmem:v4+s12+$0x0] =	vst.idx.msk $0xffff, v0;
	v54 =	vld.idx.msk [tilespmem:v46+s4+$0x0], $0xffff  }
0x198: {  	v40 =	vor.u32 v5, v40;
	v60 =	vor.u32 v11, v58;
	[tilespmem:v2+s12+$0x0] =	vst.idx.msk $0xffff, v59;
	v39 =	vld.idx.msk [tilespmem:v63+s4+$0x0], $0xffff  }
0x199: {  	v61 =	vadd.s32 s21, v27;
	v14 =	vand.u32 $0x1FFF8, v14;
	v43 =	vadd.s32 $0xB, v28;
	v32 =	vld.idx.msk [tilespmem:v32+s4+$0x0], $0xffff  }
0x19a: {  	v57 =	vand.u32 $0x1FFF8, v62;
	v22 =	vand.u32 $0x1FFF8, v56;
	v14 =	vor.u32 v25, v14  }
0x19b: {  	v53 =	vor.u32 v25, v57;
	v8 =	vadd.s32 s21, v26;
	v26 =	vadd.s32 s20, v27;
	[tilespmem:v19+s12+$0x0] =	vst.idx.msk $0xffff, v20  }
0x19c: {  	v8 =	vand.u32 $0x1FFF8, v8;
	v59 =	vadd.s32 s19, v52;
	v44 =	vand.u32 $0x1FFF8, v26;
	[tilespmem:v37+s12+$0x0] =	vst.idx.msk $0xffff, v54  }
0x19d: {  	v62 =	vor.u32 v11, v8;
	v8 =	vand.u32 $0x1FFF8, v59;
	v19 =	vadd.s32 s18, v27;
	[tilespmem:v40+s12+$0x0] =	vst.idx.msk $0xffff, v39;
	v41 =	vld.idx.msk [tilespmem:v47+s4+$0x0], $0xffff  }
0x19e: {  	v33 =	vor.u32 v7, v8;
	v20 =	vand.u32 $0x1FFF8, v61;
	v19 =	vand.u32 $0x1FFF8, v19;
	[tilespmem:v45+s12+$0x0] =	vst.idx.msk $0xffff, v32;
	v34 =	vld.idx.msk [tilespmem:v43+s4+$0x0], $0xffff  }
0x19f: {  	v54 =	vor.u32 v9, v44;
	v61 =	vor.u32 v9, v20;
	v58 =	vor.u32 v9, v19;
	v9 =	vld [tilespmem:$0x1FF20]  }
0x1a0: {  	v22 =	vor.u32 v25, v22;
	v57 =	vadd.s32 $0xF, v29;
	v40 =	vadd.s32 $0xC, v28;
	v19 =	vld.idx.msk [tilespmem:v48+s4+$0x0], $0xffff  }
0x1a1: {  	v10 =	vadd.s32 s21, v55;
	v6 =	vadd.s32 s18, v55;
	v12 =	vadd.s32 s20, v55;
	v32 =	vld.idx.msk [tilespmem:v50+s4+$0x0], $0xffff  }
0x1a2: {  	v55 =	vadd.s32 s19, v55;
	v10 =	vand.u32 $0x1FFF8, v10;
	v12 =	vand.u32 $0x1FFF8, v12  }
0x1a3: {  	v0 =	vand.u32 $0x1FFF8, v6;
	v6 =	vadd.s32 $0xE, v30;
	v46 =	vadd.s32 s19, v13;
	[tilespmem:v18+s12+$0x0] =	vst.idx.msk $0xffff, v41  }
0x1a4: {  	v2 =	vand.u32 $0x1FFF8, v49;
	v20 =	vand.u32 $0x1FFF8, v46;
	[tilespmem:v33+s12+$0x0] =	vst.idx.msk $0xffff, v34;
	v52 =	vadd.s32 s18, v9;
	v17 =	vld.idx.msk [tilespmem:v17+s4+$0x0], $0xffff  }
0x1a5: {  	v20 =	vor.u32 v25, v20;
	v56 =	vadd.s32 s20, v9;
	[tilespmem:v35+s12+$0x0] =	vst.idx.msk $0xffff, v19;
	v25 =	vld.idx.msk [tilespmem:v40+s4+$0x0], $0xffff;
	v18 =	vand.u32 $0x1FFF8, v52  }
0x1a6: {  	v26 =	vadd.s32 $0xD, v28;
	[tilespmem:v16+s12+$0x0] =	vst.idx.msk $0xffff, v32;
	v34 =	vand.u32 $0x1FFF8, v56;
	v56 =	vor.u32 v1, v18;
	v18 =	vld.idx.msk [tilespmem:v38+s4+$0x0], $0xffff  }
0x1a7: {  	v49 =	vadd.s32 $0x11, v30;
	v42 =	vadd.s32 $0x12, v30;
	v47 =	vadd.s32 s21, v9;
	v9 =	vld [tilespmem:$0x1FF30]  }
0x1a8: {  	v10 =	vor.u32 v15, v10;
	v4 =	vor.u32 v15, v0;
	v63 =	vadd.s32 $0xE, v31  }
0x1a9: {  	v12 =	vor.u32 v15, v12;
	v0 =	vadd.s32 $0xE, v29;
	v2 =	vor.u32 v11, v2;
	[tilespmem:v14+s12+$0x0] =	vst.idx.msk $0xffff, v17  }
0x1aa: {  	v59 =	vadd.s32 $0xF, v31;
	v8 =	vadd.s32 $0xF, v30;
	v39 =	vadd.s32 $0x10, v31;
	[tilespmem:v20+s12+$0x0] =	vst.idx.msk $0xffff, v25  }
0x1ab: {  	v46 =	vadd.s32 $0x12, v31;
	v50 =	vadd.s32 $0x10, v29;
	v37 =	vand.u32 $0x1FFF8, v47;
	[tilespmem:v53+s12+$0x0] =	vst.idx.msk $0xffff, v18  }
0x1ac: {  	v16 =	vadd.s32 s21, v9;
	v19 =	vadd.s32 s20, v9;
	v48 =	vadd.s32 s18, v9;
	v9 =	vld [tilespmem:$0x1FF50]  }
0x1ad: {  	v52 =	vadd.s32 $0x11, v31;
	v32 =	vld.idx.msk [tilespmem:v36+s4+$0x0], $0xffff;
	v45 =	vor.u32 v1, v34;
	v34 =	vand.u32 $0x1FFF8, v55  }
0x1ae: {  	v40 =	vadd.s32 $0x11, v29;
	v47 =	vor.u32 v1, v37;
	v38 =	vor.u32 v15, v34  }
0x1af: {  	v16 =	vand.u32 $0x1FFF8, v16;
	v33 =	vand.u32 $0x1FFF8, v48;
	v19 =	vand.u32 $0x1FFF8, v19  }
0x1b0: {  	v34 =	vld.idx.msk [tilespmem:v21+s4+$0x0], $0xffff;
	v41 =	vor.u32 v3, v16;
	v37 =	vor.u32 v3, v19;
	v16 =	vadd.s32 $0xE, v28  }
0x1b1: {  	v36 =	vld.idx.msk [tilespmem:v26+s4+$0x0], $0xffff;
	v48 =	vor.u32 v3, v33;
	v33 =	vadd.s32 $0x12, v29;
	v14 =	vadd.s32 s21, v9  }
0x1b2: {  	v43 =	vld.idx.msk [tilespmem:v23+s4+$0x0], $0xffff;
	[tilespmem:v22+s12+$0x0] =	vst.idx.msk $0xffff, v32;
	v18 =	vadd.s32 s18, v9;
	v19 =	vadd.s32 s20, v9;
	v14 =	vand.u32 $0x1FFF8, v14  }
0x1b3: {  	s23 =	simm.s32 $0xA30;
	s22 =	simm.s32 $0x0;
	v17 =	vld.idx.msk [tilespmem:v24+s4+$0x0], $0xffff;
	v32 =	vand.u32 $0x1FFF8, v18;
	v35 =	vor.u32 v5, v14;
	v14 =	vand.u32 $0x1FFF8, v19  }
.LBB2_5:
0x1b4: {  	v18 =	vld [tilespmem:s23+$0x10]  }
0x1b5: {  	v19 =	vld [tilespmem:s23+$0xFFFFFFF0]  }
0x1b6: {  	v24 =	vld [tilespmem:$0x1FF00]  }
0x1b7: {  	v53 =	vor.u32 v5, v32;
	v32 =	vld [tilespmem:$0x1FF40]  }
0x1b8: {  	v20 =	vld [tilespmem:s23+$0x0]  }
0x1b9: {  	v23 =	vld [tilespmem:s23+$0xFFFFFFE0]  }
0x1ba: {  	v26 =	vld [tilespmem:$0x1FEF0]  }
0x1bb: {  	[tilespmem:v38+s12+$0x0] =	vst.idx.msk $0xffff, v36;
	v36 =	vld [tilespmem:$0x1FF80]  }
0x1bc: {  	v9 =	vor.u32 v5, v14;
	v44 =	vld [tilespmem:$0x1FF70]  }
0x1bd: {  	v27 =	vld [tilespmem:$0x1FF20];
	[tilespmem:$0x1FE00] =	vst v9  }
0x1be: {  	v25 =	vld [tilespmem:$0x1FE80];
	v9 =	vadd.s32 $0x13, v30;
	[tilespmem:v10+s12+$0x0] =	vst.idx.msk $0xffff, v34;
	v10 =	vadd.s32 s21, v24  }
0x1bf: {  	[tilespmem:$0x1FE10] =	vst v9;
	v9 =	vadd.s32 $0x13, v29;
	v34 =	vld [tilespmem:$0x1FF10];
	v29 =	vand.u32 $0x1FFF8, v10  }
0x1c0: {  	[tilespmem:v4+s12+$0x0] =	vst.idx.msk $0xffff, v17;
	v4 =	vld.idx.msk [tilespmem:v6+s4+$0x0], $0xffff;
	v6 =	vor.u32 v7, v29;
	v14 =	vadd.s32 s19, v36  }
0x1c1: {  	[tilespmem:$0x1FE30] =	vst v6;
	v6 =	vld.idx.msk [tilespmem:v63+s4+$0x0], $0xffff;
	v14 =	vand.u32 $0x1FFF8, v14  }
0x1c2: {  	v16 =	vld.idx.msk [tilespmem:v16+s4+$0x0], $0xffff;
	v14 =	vor.u32 v32, v14  }
0x1c3: {  	v22 =	vadd.s32 $0xF, v28;
	v13 =	vld [tilespmem:$0x1FF50];
	[tilespmem:$0x1FE20] =	vst v9  }
0x1c4: {  	v11 =	vld [tilespmem:$0x1FEC0];
	[tilespmem:v12+s12+$0x0] =	vst.idx.msk $0xffff, v43;
	v38 =	vadd.s32 $0x13, v31;
	v12 =	vadd.s32 s20, v24;
	v30 =	vmul.u32 $0x14, v19  }
0x1c5: {  	v15 =	vld [tilespmem:$0x1FEE0];
	v21 =	vadd.s32 s18, v24;
	v12 =	vand.u32 $0x1FFF8, v12;
	v10 =	vmul.u32 $0x14, v18;
	[tilespmem:v62+s12+$0x0] =	vst.idx.msk $0xffff, v4  }
0x1c6: {  	v0 =	vld.idx.msk [tilespmem:v0+s4+$0x0], $0xffff;
	v9 =	vor.u32 v7, v12;
	v29 =	vmul.u32 $0x14, v20;
	v12 =	vadd.s32 s19, v34;
	[tilespmem:v2+s12+$0x0] =	vst.idx.msk $0xffff, v6  }
0x1c7: {  	s18 =	sadd.s32 $0x500, s18;
	v31 =	vmul.u32 $0x14, v23;
	v21 =	vand.u32 $0x1FFF8, v21;
	v12 =	vand.u32 $0x1FFF8, v12;
	v2 =	vld.idx.msk [tilespmem:v8+s4+$0x0], $0xffff;
	[tilespmem:v14+s12+$0x0] =	vst.idx.msk $0xffff, v16  }
0x1c8: {  	v19 =	vadd.s32 $0x10, v28;
	s21 =	sadd.s32 $0x140, s18;
	s20 =	sadd.s32 $0x280, s18;
	s24 =	sadd.s32 $0x3C0, s18;
	v43 =	vor.u32 v7, v21;
	v12 =	vor.u32 v44, v12;
	v14 =	vld.idx.msk [tilespmem:v22+s4+$0x0], $0xffff  }
0x1c9: {  	v17 =	vadd.s32 s21, v26;
	v18 =	vadd.s32 s24, v26;
	v20 =	vadd.s32 s20, v26;
	[tilespmem:$0x1FE40] =	vst v9;
	v9 =	vld [tilespmem:$0x1FEB0]  }
0x1ca: {  	v17 =	vand.u32 $0x1FFF8, v17;
	v18 =	vand.u32 $0x1FFF8, v18;
	v63 =	vadd.s32 $0x12, v28;
	v6 =	vld.idx.msk [tilespmem:v30+s4+$0x0], $0xffff  }
0x1cb: {  	v18 =	vor.u32 v1, v18;
	v8 =	vor.u32 v1, v17;
	v16 =	vadd.s32 s18, v26;
	v55 =	vld.idx.msk [tilespmem:v10+s4+$0x0], $0xffff  }
0x1cc: {  	v26 =	vadd.s32 s18, v25;
	v4 =	vand.u32 $0x1FFF8, v16;
	v16 =	vand.u32 $0x1FFF8, v20;
	v22 =	vld.idx.msk [tilespmem:v29+s4+$0x0], $0xffff;
	[tilespmem:v61+s12+$0x0] =	vst.idx.msk $0xffff, v2  }
0x1cd: {  	v17 =	vor.u32 $0x1, v10;
	v16 =	vor.u32 v1, v16;
	v2 =	vand.u32 $0x1FFF8, v26;
	v26 =	vld [tilespmem:$0x1FF30];
	[tilespmem:v12+s12+$0x0] =	vst.idx.msk $0xffff, v14  }
0x1ce: {  	v23 =	vor.u32 $0x1, v29;
	v62 =	vadd.s32 s20, v25;
	[tilespmem:v60+s12+$0x0] =	vst.idx.msk $0xffff, v0;
	v12 =	vadd.s32 s19, v27;
	v0 =	vld.idx.msk [tilespmem:v19+s4+$0x0], $0xffff  }
0x1cf: {  	v4 =	vor.u32 v1, v4;
	v14 =	vor.u32 $0x1, v30;
	v12 =	vand.u32 $0x1FFF8, v12;
	v19 =	vld.idx.msk [tilespmem:v31+s4+$0x0], $0xffff  }
0x1d0: {  	v60 =	vadd.s32 s21, v25;
	[tilespmem:v18+s12+$0x0] =	vst.idx.msk $0xffff, v55;
	v18 =	vadd.s32 s24, v25;
	v25 =	vld [tilespmem:$0x1FE90];
	v12 =	vor.u32 v1, v12  }
0x1d1: {  	v62 =	vand.u32 $0x1FFF8, v62;
	v21 =	vld.idx.msk [tilespmem:v59+s4+$0x0], $0xffff;
	v20 =	vor.u32 $0x1, v31;
	[tilespmem:v8+s12+$0x0] =	vst.idx.msk $0xffff, v6;
	v18 =	vand.u32 $0x1FFF8, v18  }
0x1d2: {  	v60 =	vand.u32 $0x1FFF8, v60;
	v55 =	vadd.s32 $0x11, v28;
	[tilespmem:v16+s12+$0x0] =	vst.idx.msk $0xffff, v22;
	v17 =	vld.idx.msk [tilespmem:v17+s4+$0x0], $0xffff;
	v8 =	vor.u32 v3, v18  }
0x1d3: {  	v6 =	vor.u32 v3, v60;
	v2 =	vor.u32 v3, v2;
	v60 =	vor.u32 $0x2, v30;
	v23 =	vld.idx.msk [tilespmem:v23+s4+$0x0], $0xffff  }
0x1d4: {  	v16 =	vor.u32 v3, v62;
	v22 =	vor.u32 $0x2, v10;
	v18 =	vor.u32 $0x2, v31;
	v14 =	vld.idx.msk [tilespmem:v14+s4+$0x0], $0xffff;
	[tilespmem:v4+s12+$0x0] =	vst.idx.msk $0xffff, v19  }
0x1d5: {  	v61 =	vld [tilespmem:$0x1FEA0];
	v4 =	vadd.s32 s21, v25;
	v59 =	vadd.s32 s18, v25;
	[tilespmem:v12+s12+$0x0] =	vst.idx.msk $0xffff, v0;
	v0 =	vadd.s32 s19, v26  }
0x1d6: {  	v12 =	vor.u32 $0x2, v29;
	v20 =	vld.idx.msk [tilespmem:v20+s4+$0x0], $0xffff;
	v4 =	vand.u32 $0x1FFF8, v4;
	v0 =	vand.u32 $0x1FFF8, v0  }
0x1d7: {  	v19 =	vld.idx.msk [tilespmem:v55+s4+$0x0], $0xffff;
	v55 =	vadd.s32 s20, v25;
	[tilespmem:v8+s12+$0x0] =	vst.idx.msk $0xffff, v17;
	v8 =	vadd.s32 s24, v25;
	v0 =	vor.u32 v3, v0  }
0x1d8: {  	[tilespmem:v58+s12+$0x0] =	vst.idx.msk $0xffff, v21;
	v17 =	vld.idx.msk [tilespmem:v57+s4+$0x0], $0xffff;
	v25 =	vand.u32 $0x1FFF8, v59;
	v59 =	vor.u32 $0x3, v31;
	v8 =	vand.u32 $0x1FFF8, v8  }
0x1d9: {  	v4 =	vor.u32 v5, v4;
	v22 =	vld.idx.msk [tilespmem:v22+s4+$0x0], $0xffff;
	[tilespmem:v6+s12+$0x0] =	vst.idx.msk $0xffff, v14;
	v6 =	vor.u32 v5, v8  }
0x1da: {  	[tilespmem:v16+s12+$0x0] =	vst.idx.msk $0xffff, v23;
	v55 =	vand.u32 $0x1FFF8, v55;
	v57 =	vor.u32 v5, v25;
	v8 =	vld.idx.msk [tilespmem:v60+s4+$0x0], $0xffff;
	v60 =	vor.u32 $0x3, v10  }
0x1db: {  	v25 =	vadd.s32 $0x13, v28;
	v14 =	vor.u32 $0x3, v30;
	v16 =	vor.u32 v5, v55;
	v12 =	vld.idx.msk [tilespmem:v12+s4+$0x0], $0xffff;
	[tilespmem:v2+s12+$0x0] =	vst.idx.msk $0xffff, v20  }
0x1dc: {  	v55 =	vor.u32 $0x3, v29;
	v18 =	vld.idx.msk [tilespmem:v18+s4+$0x0], $0xffff;
	[tilespmem:v0+s12+$0x0] =	vst.idx.msk $0xffff, v19;
	v0 =	vadd.s32 s19, v13;
	v19 =	vadd.s32 s20, v61  }
0x1dd: {  	v2 =	vadd.s32 s21, v61;
	[tilespmem:v54+s12+$0x0] =	vst.idx.msk $0xffff, v17;
	v0 =	vand.u32 $0x1FFF8, v0;
	v17 =	vand.u32 $0x1FFF8, v19;
	v19 =	vld.idx.msk [tilespmem:v39+s4+$0x0], $0xffff  }
0x1de: {  	v62 =	vld.idx.msk [tilespmem:v63+s4+$0x0], $0xffff;
	v63 =	vadd.s32 s18, v61;
	[tilespmem:v6+s12+$0x0] =	vst.idx.msk $0xffff, v22;
	v6 =	vadd.s32 s24, v61;
	v0 =	vor.u32 v5, v0  }
0x1df: {  	v28 =	vmovc v10;
	v2 =	vand.u32 $0x1FFF8, v2;
	v10 =	vand.u32 $0x1FFF8, v63;
	v39 =	vld.idx.msk [tilespmem:v60+s4+$0x0], $0xffff;
	v6 =	vand.u32 $0x1FFF8, v6;
	[tilespmem:v4+s12+$0x0] =	vst.idx.msk $0xffff, v8  }
0x1e0: {  	v6 =	vor.u32 v7, v6;
	v8 =	vor.u32 v7, v10;
	v10 =	vld.idx.msk [tilespmem:v14+s4+$0x0], $0xffff;
	[tilespmem:v16+s12+$0x0] =	vst.idx.msk $0xffff, v12  }
0x1e1: {  	v2 =	vor.u32 v7, v2;
	v4 =	vor.u32 v7, v17;
	v17 =	vld.idx.msk [tilespmem:v55+s4+$0x0], $0xffff;
	[tilespmem:v57+s12+$0x0] =	vst.idx.msk $0xffff, v18  }
0x1e2: {  	v14 =	vadd.s32 $0x4, v30;
	v55 =	vld.idx.msk [tilespmem:v59+s4+$0x0], $0xffff;
	[tilespmem:v56+s12+$0x0] =	vst.idx.msk $0xffff, v19  }
0x1e3: {  	v61 =	vadd.s32 $0x4, v29;
	v60 =	vadd.s32 $0x4, v31;
	v12 =	vadd.s32 $0x4, v28;
	v19 =	vld.idx.msk [tilespmem:v51+s4+$0x0], $0xffff;
	[tilespmem:v0+s12+$0x0] =	vst.idx.msk $0xffff, v62  }
0x1e4: {  	v16 =	vadd.s32 s21, v9;
	v18 =	vadd.s32 s18, v9;
	v0 =	vadd.s32 s19, v24;
	s19 =	smov.u32 s24;
	v22 =	vld.idx.msk [tilespmem:v25+s4+$0x0], $0xffff  }
0x1e5: {  	v62 =	vadd.s32 s20, v9;
	v0 =	vand.u32 $0x1FFF8, v0;
	[tilespmem:v6+s12+$0x0] =	vst.idx.msk $0xffff, v39;
	v6 =	vadd.s32 s19, v9;
	v9 =	vld [tilespmem:$0x1FED0]  }
0x1e6: {  	v16 =	vand.u32 $0x1FFF8, v16;
	[tilespmem:v2+s12+$0x0] =	vst.idx.msk $0xffff, v10;
	v10 =	vld.idx.msk [tilespmem:v50+s4+$0x0], $0xffff;
	v0 =	vor.u32 v7, v0  }
0x1e7: {  	v16 =	vor.u32 v11, v16;
	v6 =	vand.u32 $0x1FFF8, v6;
	v14 =	vld.idx.msk [tilespmem:v14+s4+$0x0], $0xffff  }
0x1e8: {  	v12 =	vld.idx.msk [tilespmem:v12+s4+$0x0], $0xffff;
	[tilespmem:v4+s12+$0x0] =	vst.idx.msk $0xffff, v17;
	v6 =	vor.u32 v11, v6  }
0x1e9: {  	v18 =	vand.u32 $0x1FFF8, v18;
	v2 =	vadd.s32 $0x5, v30;
	v54 =	vld.idx.msk [tilespmem:v61+s4+$0x0], $0xffff;
	[tilespmem:v8+s12+$0x0] =	vst.idx.msk $0xffff, v55  }
0x1ea: {  	v18 =	vor.u32 v11, v18;
	v20 =	vand.u32 $0x1FFF8, v62;
	v23 =	vld.idx.msk [tilespmem:v60+s4+$0x0], $0xffff;
	[tilespmem:v47+s12+$0x0] =	vst.idx.msk $0xffff, v19;
	v24 =	vadd.s32 s21, v9  }
0x1eb: {  	v20 =	vor.u32 v11, v20;
	v17 =	vadd.s32 $0x5, v28;
	v50 =	vand.u32 $0x1FFF8, v24;
	[tilespmem:v0+s12+$0x0] =	vst.idx.msk $0xffff, v22;
	v24 =	vld [tilespmem:$0x1FFE0]  }
0x1ec: {  	v63 =	vadd.s32 $0x5, v31;
	v4 =	vadd.s32 $0x5, v29;
	[tilespmem:v16+s12+$0x0] =	vst.idx.msk $0xffff, v14;
	v8 =	vor.u32 v15, v50;
	v50 =	vld.idx.msk [tilespmem:v52+s4+$0x0], $0xffff  }
0x1ed: {  	v25 =	vadd.s32 s18, v9;
	v39 =	vadd.s32 s20, v9;
	[tilespmem:v6+s12+$0x0] =	vst.idx.msk $0xffff, v12;
	v6 =	vadd.s32 s19, v9;
	v9 =	vld [tilespmem:$0x1FFF0]  }
0x1ee: {  	v2 =	vld.idx.msk [tilespmem:v2+s4+$0x0], $0xffff  }
0x1ef: {  	v51 =	vadd.s32 $0x6, v31;
	v14 =	vld.idx.msk [tilespmem:v49+s4+$0x0], $0xffff;
	v6 =	vand.u32 $0x1FFF8, v6  }
0x1f0: {  	v62 =	vadd.s32 $0x6, v28;
	v60 =	vadd.s32 $0x6, v29;
	[tilespmem:v20+s12+$0x0] =	vst.idx.msk $0xffff, v54;
	v17 =	vld.idx.msk [tilespmem:v17+s4+$0x0], $0xffff;
	v6 =	vor.u32 v15, v6  }
0x1f1: {  	v0 =	vand.u32 $0x1FFF8, v25;
	v59 =	vand.u32 $0x1FFF8, v39;
	v52 =	vadd.s32 $0x6, v30;
	v4 =	vld.idx.msk [tilespmem:v4+s4+$0x0], $0xffff;
	[tilespmem:v18+s12+$0x0] =	vst.idx.msk $0xffff, v23  }
0x1f2: {  	v0 =	vor.u32 v15, v0;
	v22 =	vor.u32 v15, v59;
	[tilespmem:v45+s12+$0x0] =	vst.idx.msk $0xffff, v10;
	v21 =	vld.idx.msk [tilespmem:v63+s4+$0x0], $0xffff  }
0x1f3: {  	v63 =	vadd.s32 s18, v24;
	v39 =	vadd.s32 s20, v24;
	v12 =	vadd.s32 s21, v9;
	[tilespmem:v8+s12+$0x0] =	vst.idx.msk $0xffff, v2  }
0x1f4: {  	v61 =	vadd.s32 s20, v9;
	v19 =	vadd.s32 s18, v9;
	v56 =	vand.u32 $0x1FFF8, v39;
	[tilespmem:v48+s12+$0x0] =	vst.idx.msk $0xffff, v50;
	v39 =	vld [tilespmem:$0x1FFA0]  }
0x1f5: {  	v12 =	vand.u32 $0x1FFF8, v12;
	[tilespmem:v6+s12+$0x0] =	vst.idx.msk $0xffff, v17;
	v6 =	vadd.s32 s19, v9;
	v17 =	vand.u32 $0x1FFF8, v63;
	v9 =	vld [tilespmem:$0x1FFC0]  }
0x1f6: {  	v12 =	vor.u32 v32, v12;
	v6 =	vand.u32 $0x1FFF8, v6;
	v8 =	vor.u32 v44, v17;
	v17 =	vld.idx.msk [tilespmem:v52+s4+$0x0], $0xffff  }
0x1f7: {  	[tilespmem:v22+s12+$0x0] =	vst.idx.msk $0xffff, v4;
	v20 =	vld.idx.msk [tilespmem:v62+s4+$0x0], $0xffff;
	v6 =	vor.u32 v32, v6  }
0x1f8: {  	v23 =	vadd.s32 $0x7, v30;
	v45 =	vld.idx.msk [tilespmem:v60+s4+$0x0], $0xffff;
	[tilespmem:v0+s12+$0x0] =	vst.idx.msk $0xffff, v21  }
0x1f9: {  	v16 =	vand.u32 $0x1FFF8, v19;
	v19 =	vand.u32 $0x1FFF8, v61;
	v4 =	vadd.s32 $0x7, v28;
	v48 =	vld.idx.msk [tilespmem:v51+s4+$0x0], $0xffff  }
0x1fa: {  	v19 =	vor.u32 v32, v19;
	v63 =	vld.idx.msk [tilespmem:v46+s4+$0x0], $0xffff;
	[tilespmem:v41+s12+$0x0] =	vst.idx.msk $0xffff, v14  }
0x1fb: {  	v25 =	vadd.s32 s21, v24;
	v16 =	vor.u32 v32, v16;
	v46 =	vld [tilespmem:$0x1FFD0];
	[tilespmem:v12+s12+$0x0] =	vst.idx.msk $0xffff, v17  }
0x1fc: {  	v54 =	vand.u32 $0x1FFF8, v25;
	[tilespmem:v6+s12+$0x0] =	vst.idx.msk $0xffff, v20;
	v6 =	vadd.s32 s19, v24;
	v17 =	vld.idx.msk [tilespmem:v42+s4+$0x0], $0xffff  }
0x1fd: {  	v47 =	vadd.s32 $0x7, v29;
	v49 =	vor.u32 v44, v54;
	v23 =	vld.idx.msk [tilespmem:v23+s4+$0x0], $0xffff;
	v6 =	vand.u32 $0x1FFF8, v6  }
0x1fe: {  	v18 =	vadd.s32 $0x7, v31;
	v4 =	vld.idx.msk [tilespmem:v4+s4+$0x0], $0xffff;
	v6 =	vor.u32 v44, v6  }
0x1ff: {  	v40 =	vld.idx.msk [tilespmem:v40+s4+$0x0], $0xffff;
	v52 =	vadd.s32 $0x8, v30;
	[tilespmem:v19+s12+$0x0] =	vst.idx.msk $0xffff, v45  }
0x200: {  	v19 =	vadd.s32 $0x8, v28;
	[tilespmem:v16+s12+$0x0] =	vst.idx.msk $0xffff, v48  }
0x201: {  	v57 =	vld [tilespmem:$0x1FFB0];
	v2 =	vor.u32 v44, v56;
	v59 =	vadd.s32 s21, v9;
	v14 =	vadd.s32 s20, v46;
	[tilespmem:v35+s12+$0x0] =	vst.idx.msk $0xffff, v17  }
0x202: {  	v45 =	vadd.s32 s21, v39;
	v61 =	vand.u32 $0x1FFF8, v59;
	v25 =	vld.idx.msk [tilespmem:v47+s4+$0x0], $0xffff;
	v14 =	vand.u32 $0x1FFF8, v14;
	[tilespmem:v49+s12+$0x0] =	vst.idx.msk $0xffff, v23  }
0x203: {  	v48 =	vor.u32 v3, v14;
	v14 =	vld.idx.msk [tilespmem:v18+s4+$0x0], $0xffff;
	[tilespmem:v6+s12+$0x0] =	vst.idx.msk $0xffff, v4;
	v4 =	vadd.s32 s19, v9;
	v6 =	vand.u32 $0x1FFF8, v45  }
0x204: {  	v21 =	vor.u32 v1, v61;
	v4 =	vand.u32 $0x1FFF8, v4;
	v20 =	vor.u32 v5, v6;
	v6 =	vld.idx.msk [tilespmem:v52+s4+$0x0], $0xffff  }
0x205: {  	v10 =	vadd.s32 $0x8, v31;
	[tilespmem:v37+s12+$0x0] =	vst.idx.msk $0xffff, v40;
	v19 =	vld.idx.msk [tilespmem:v19+s4+$0x0], $0xffff;
	v4 =	vor.u32 v1, v4  }
0x206: {  	v55 =	vadd.s32 $0x9, v29;
	v51 =	vadd.s32 $0x9, v30;
	[tilespmem:v53+s12+$0x0] =	vst.idx.msk $0xffff, v63  }
0x207: {  	v50 =	vadd.s32 $0x9, v31;
	v0 =	vadd.s32 s18, v9;
	[tilespmem:v2+s12+$0x0] =	vst.idx.msk $0xffff, v25;
	v2 =	vadd.s32 $0x9, v28  }
0x208: {  	v54 =	vadd.s32 $0x8, v29;
	v60 =	vadd.s32 s20, v9;
	v0 =	vand.u32 $0x1FFF8, v0;
	[tilespmem:v8+s12+$0x0] =	vst.idx.msk $0xffff, v14  }
0x209: {  	v12 =	vadd.s32 s21, v46;
	v0 =	vor.u32 v1, v0;
	v8 =	vadd.s32 s18, v57;
	[tilespmem:v21+s12+$0x0] =	vst.idx.msk $0xffff, v6  }
0x20a: {  	v12 =	vand.u32 $0x1FFF8, v12;
	v10 =	vld.idx.msk [tilespmem:v10+s4+$0x0], $0xffff;
	v8 =	vand.u32 $0x1FFF8, v8;
	[tilespmem:v4+s12+$0x0] =	vst.idx.msk $0xffff, v19;
	v4 =	vadd.s32 s19, v46  }
0x20b: {  	v12 =	vor.u32 v3, v12;
	v40 =	vor.u32 v7, v8;
	v8 =	vld.idx.msk [tilespmem:v51+s4+$0x0], $0xffff;
	v4 =	vand.u32 $0x1FFF8, v4  }
0x20c: {  	v62 =	vand.u32 $0x1FFF8, v60;
	v61 =	vadd.s32 s20, v39;
	v2 =	vld.idx.msk [tilespmem:v2+s4+$0x0], $0xffff;
	v4 =	vor.u32 v3, v4  }
0x20d: {  	v22 =	vor.u32 v1, v62;
	v62 =	vand.u32 $0x1FFF8, v61;
	v61 =	vadd.s32 $0xA, v28;
	v63 =	vld.idx.msk [tilespmem:v54+s4+$0x0], $0xffff  }
0x20e: {  	v56 =	vadd.s32 $0xA, v29;
	v47 =	vadd.s32 $0xA, v31;
	v24 =	vadd.s32 s18, v46;
	v9 =	vmovc v11;
	v11 =	vld [tilespmem:$0x1FF60]  }
0x20f: {  	v60 =	vadd.s32 s18, v39;
	v59 =	vadd.s32 s20, v57;
	v41 =	vand.u32 $0x1FFF8, v24;
	[tilespmem:v0+s12+$0x0] =	vst.idx.msk $0xffff, v10;
	v6 =	vld.idx.msk [tilespmem:v33+s4+$0x0], $0xffff  }
0x210: {  	v37 =	vand.u32 $0x1FFF8, v59;
	v42 =	vadd.s32 $0xD, v30;
	v16 =	vor.u32 v3, v41;
	[tilespmem:v12+s12+$0x0] =	vst.idx.msk $0xffff, v8;
	v8 =	vld [tilespmem:$0x1FE10]  }
0x211: {  	v18 =	vadd.s32 $0xA, v30;
	v25 =	vor.u32 v7, v37;
	v37 =	vadd.s32 $0xC, v31;
	v58 =	vld.idx.msk [tilespmem:v50+s4+$0x0], $0xffff;
	[tilespmem:v4+s12+$0x0] =	vst.idx.msk $0xffff, v2  }
0x212: {  	v17 =	vand.u32 $0x1FFF8, v60;
	v35 =	vadd.s32 $0xD, v31;
	v23 =	vor.u32 v5, v62;
	v50 =	vld.idx.msk [tilespmem:v61+s4+$0x0], $0xffff  }
0x213: {  	v17 =	vor.u32 v5, v17;
	v49 =	vadd.s32 $0xB, v30;
	v14 =	vadd.s32 s21, v57;
	v61 =	vld [tilespmem:$0x1FE00]  }
0x214: {  	v45 =	vadd.s32 $0xB, v31;
	v14 =	vand.u32 $0x1FFF8, v14;
	v52 =	vadd.s32 $0xB, v29;
	[tilespmem:v22+s12+$0x0] =	vst.idx.msk $0xffff, v63;
	v59 =	vld.idx.msk [tilespmem:v38+s4+$0x0], $0xffff  }
0x215: {  	v24 =	vor.u32 v7, v14;
	v14 =	vadd.s32 s21, v11;
	v60 =	vadd.s32 s20, v11;
	v63 =	vld.idx.msk [tilespmem:v55+s4+$0x0], $0xffff  }
0x216: {  	v62 =	vadd.s32 s18, v11;
	v14 =	vand.u32 $0x1FFF8, v14;
	v55 =	vld [tilespmem:$0x1FF90];
	v2 =	vadd.s32 s19, v39  }
0x217: {  	v22 =	vand.u32 $0x1FFF8, v60;
	v0 =	vand.u32 $0x1FFF8, v62;
	v51 =	vld [tilespmem:$0x1FE20];
	v2 =	vand.u32 $0x1FFF8, v2  }
0x218: {  	v41 =	vor.u32 v9, v14;
	v33 =	vor.u32 v9, v22;
	v2 =	vor.u32 v5, v2;
	v38 =	vld.idx.msk [tilespmem:v8+s4+$0x0], $0xffff  }
0x219: {  	v21 =	vadd.s32 $0xC, v29;
	v53 =	vor.u32 v9, v0;
	[tilespmem:v16+s12+$0x0] =	vst.idx.msk $0xffff, v58;
	v8 =	vld.idx.msk [tilespmem:v18+s4+$0x0], $0xffff;
	v18 =	vadd.s32 $0xB, v28  }
0x21a: {  	v19 =	vadd.s32 $0xC, v30;
	v14 =	vadd.s32 $0xD, v29;
	v62 =	vmovc v36;
	v16 =	vadd.s32 s21, v36;
	v54 =	vld.idx.msk [tilespmem:v47+s4+$0x0], $0xffff;
	[tilespmem:v43+s12+$0x0] =	vst.idx.msk $0xffff, v59  }
0x21b: {  	v58 =	vadd.s32 s18, v62;
	v36 =	vadd.s32 s20, v27;
	v0 =	vadd.s32 s21, v55;
	[tilespmem:v61+s12+$0x0] =	vst.idx.msk $0xffff, v6  }
0x21c: {  	v10 =	vadd.s32 s20, v55;
	v16 =	vand.u32 $0x1FFF8, v16;
	v4 =	vadd.s32 s18, v55;
	[tilespmem:v48+s12+$0x0] =	vst.idx.msk $0xffff, v63  }
0x21d: {  	v59 =	vand.u32 $0x1FFF8, v58;
	v4 =	vand.u32 $0x1FFF8, v4;
	[tilespmem:v2+s12+$0x0] =	vst.idx.msk $0xffff, v50;
	v2 =	vadd.s32 s19, v57;
	v39 =	vld.idx.msk [tilespmem:v56+s4+$0x0], $0xffff  }
0x21e: {  	v48 =	vadd.s32 s20, v62;
	v62 =	vor.u32 v32, v16;
	v16 =	vld.idx.msk [tilespmem:v18+s4+$0x0], $0xffff;
	v18 =	vand.u32 $0x1FFF8, v2  }
0x21f: {  	v0 =	vand.u32 $0x1FFF8, v0;
	v4 =	vor.u32 v15, v4;
	v18 =	vor.u32 v7, v18  }
0x220: {  	v57 =	vadd.s32 $0xF, v29;
	v50 =	vadd.s32 s21, v34;
	v6 =	vand.u32 $0x1FFF8, v10  }
0x221: {  	v10 =	vor.u32 v15, v0;
	v0 =	vadd.s32 $0xE, v29;
	v63 =	vadd.s32 $0xE, v31  }
0x222: {  	v12 =	vor.u32 v15, v6;
	v6 =	vadd.s32 $0xE, v30;
	v22 =	vld.idx.msk [tilespmem:v51+s4+$0x0], $0xffff;
	v48 =	vand.u32 $0x1FFF8, v48;
	[tilespmem:v20+s12+$0x0] =	vst.idx.msk $0xffff, v8  }
0x223: {  	v2 =	vor.u32 v32, v59;
	v59 =	vadd.s32 $0xF, v31;
	v8 =	vadd.s32 $0xF, v30;
	v20 =	vld.idx.msk [tilespmem:v49+s4+$0x0], $0xffff;
	[tilespmem:v23+s12+$0x0] =	vst.idx.msk $0xffff, v39  }
0x224: {  	v51 =	vadd.s32 s20, v34;
	v23 =	vadd.s32 $0xC, v28;
	[tilespmem:v18+s12+$0x0] =	vst.idx.msk $0xffff, v16;
	v16 =	vadd.s32 s19, v11;
	v11 =	vld [tilespmem:$0x1FE30]  }
0x225: {  	[tilespmem:v17+s12+$0x0] =	vst.idx.msk $0xffff, v54;
	v60 =	vor.u32 v32, v48;
	v49 =	vadd.s32 s18, v34;
	v54 =	vand.u32 $0x1FFF8, v51;
	v46 =	vld.idx.msk [tilespmem:v52+s4+$0x0], $0xffff  }
0x226: {  	v32 =	vld.idx.msk [tilespmem:v45+s4+$0x0], $0xffff;
	v51 =	vadd.s32 $0x10, v30;
	v34 =	vadd.s32 s18, v27;
	v16 =	vand.u32 $0x1FFF8, v16  }
0x227: {  	v48 =	vadd.s32 s18, v26;
	v17 =	vand.u32 $0x1FFF8, v49;
	v16 =	vor.u32 v9, v16;
	v9 =	vld [tilespmem:$0x1FE40]  }
0x228: {  	v54 =	vor.u32 v44, v54;
	v58 =	vor.u32 v44, v17;
	v17 =	vadd.s32 s21, v27  }
0x229: {  	v49 =	vadd.s32 $0x11, v30;
	v17 =	vand.u32 $0x1FFF8, v17;
	v39 =	vadd.s32 $0x10, v31;
	v18 =	vld.idx.msk [tilespmem:v23+s4+$0x0], $0xffff  }
0x22a: {  	v47 =	vor.u32 v1, v17;
	v52 =	vand.u32 $0x1FFF8, v50;
	v50 =	vadd.s32 $0x10, v29;
	[tilespmem:v25+s12+$0x0] =	vst.idx.msk $0xffff, v46  }
0x22b: {  	[tilespmem:v40+s12+$0x0] =	vst.idx.msk $0xffff, v32;
	v40 =	vadd.s32 $0x11, v29;
	v61 =	vor.u32 v44, v52;
	v23 =	vand.u32 $0x1FFF8, v34;
	v17 =	vld.idx.msk [tilespmem:v21+s4+$0x0], $0xffff  }
0x22c: {  	v52 =	vadd.s32 $0x11, v31;
	v44 =	vadd.s32 s21, v26;
	v56 =	vor.u32 v1, v23;
	[tilespmem:v11+s12+$0x0] =	vst.idx.msk $0xffff, v38  }
0x22d: {  	v25 =	vld.idx.msk [tilespmem:v37+s4+$0x0], $0xffff;
	v46 =	vadd.s32 s20, v26;
	v21 =	vand.u32 $0x1FFF8, v44;
	v38 =	vadd.s32 $0xD, v28;
	[tilespmem:v24+s12+$0x0] =	vst.idx.msk $0xffff, v20  }
0x22e: {  	s22 =	sadd.s32 $0x4, s22;
	v20 =	vand.u32 $0x1FFF8, v36;
	[tilespmem:v16+s12+$0x0] =	vst.idx.msk $0xffff, v18;
	v16 =	vadd.s32 s19, v55;
	v18 =	vand.u32 $0x1FFF8, v48;
	v19 =	vld.idx.msk [tilespmem:v19+s4+$0x0], $0xffff  }
0x22f: {  	p0 =	slt.u32 s22, $0x7C;
	v55 =	vand.u32 $0x1FFF8, v46;
	v46 =	vadd.s32 $0x12, v31;
	v45 =	vor.u32 v1, v20;
	[tilespmem:v9+s12+$0x0] =	vst.idx.msk $0xffff, v22  }
.Ltmp1:
0x230: {  	v16 =	vand.u32 $0x1FFF8, v16;
	v37 =	vor.u32 v3, v55;
	v48 =	vor.u32 v3, v18;
	[tilespmem:v33+s12+$0x0] =	vst.idx.msk $0xffff, v17;
	(pc) =	sbr.rel @p0 .LBB2_5-.Ltmp1, $4  }
0x231: {  	v17 =	vadd.s32 s21, v13;
	v33 =	vadd.s32 $0x12, v29;
	v43 =	vld.idx.msk [tilespmem:v14+s4+$0x0], $0xffff;
	v14 =	vadd.s32 s18, v13  }
0x232: {  	[tilespmem:v53+s12+$0x0] =	vst.idx.msk $0xffff, v25;
	v18 =	vand.u32 $0x1FFF8, v17;
	v36 =	vld.idx.msk [tilespmem:v38+s4+$0x0], $0xffff;
	v38 =	vor.u32 v15, v16;
	v16 =	vadd.s32 $0xE, v28  }
0x233: {  	v17 =	vld.idx.msk [tilespmem:v35+s4+$0x0], $0xffff;
	v32 =	vand.u32 $0x1FFF8, v14;
	v35 =	vor.u32 v5, v18;
	[tilespmem:v41+s12+$0x0] =	vst.idx.msk $0xffff, v19;
	v19 =	vadd.s32 s20, v13  }
0x234: {  	s23 =	sadd.s32 $0x40, s23;
	v41 =	vor.u32 v3, v21;
	v34 =	vld.idx.msk [tilespmem:v42+s4+$0x0], $0xffff;
	v42 =	vadd.s32 $0x12, v30;
	v14 =	vand.u32 $0x1FFF8, v19  }
0x235: {  	_ =	sdelay $0x2  }
0x236: {  	v25 =	vld [tilespmem:$0x1FF80]  }
0x237: {  	[tilespmem:v38+s12+$0x0] =	vst.idx.msk $0xffff, v36  }
0x238: {  	v9 =	vld [tilespmem:$0x1FF40];
	_ =	sdelay $0x2  }
0x239: {  	v18 =	vadd.s32 s19, v25  }
0x23a: {  	v18 =	vand.u32 $0x1FFF8, v18  }
0x23b: {  	v16 =	vld.idx.msk [tilespmem:v16+s4+$0x0], $0xffff;
	[tilespmem:v4+s12+$0x0] =	vst.idx.msk $0xffff, v17;
	v18 =	vor.u32 v9, v18  }
0x23c: {  	[tilespmem:v12+s12+$0x0] =	vst.idx.msk $0xffff, v43;
	v38 =	vld.idx.msk [tilespmem:v63+s4+$0x0], $0xffff  }
0x23d: {  	v4 =	vadd.s32 $0xF, v28;
	[tilespmem:v10+s12+$0x0] =	vst.idx.msk $0xffff, v34;
	v0 =	vld.idx.msk [tilespmem:v0+s4+$0x0], $0xffff  }
0x23e: {  	v6 =	vld.idx.msk [tilespmem:v6+s4+$0x0], $0xffff  }
0x23f: {  	v34 =	vld [tilespmem:$0x1FF10]  }
0x240: {  	[tilespmem:v18+s12+$0x0] =	vst.idx.msk $0xffff, v16  }
0x241: {  	v21 =	vld [tilespmem:$0x1FF70]  }
0x242: {  	v4 =	vld.idx.msk [tilespmem:v4+s4+$0x0], $0xffff;
	[tilespmem:v2+s12+$0x0] =	vst.idx.msk $0xffff, v38  }
0x243: {  	[tilespmem:v62+s12+$0x0] =	vst.idx.msk $0xffff, v6;
	v6 =	vld.idx.msk [tilespmem:v59+s4+$0x0], $0xffff  }
0x244: {  	v44 =	vadd.s32 s19, v34;
	[tilespmem:v60+s12+$0x0] =	vst.idx.msk $0xffff, v0;
	v8 =	vld.idx.msk [tilespmem:v8+s4+$0x0], $0xffff  }
0x245: {  	v12 =	vand.u32 $0x1FFF8, v44;
	v0 =	vld.idx.msk [tilespmem:v57+s4+$0x0], $0xffff  }
0x246: {  	v36 =	vld [tilespmem:$0x1FF20];
	v12 =	vor.u32 v21, v12  }
0x247: {  	v2 =	vadd.s32 $0x10, v28  }
0x248: {  	[tilespmem:v58+s12+$0x0] =	vst.idx.msk $0xffff, v6  }
0x249: {  	[tilespmem:v61+s12+$0x0] =	vst.idx.msk $0xffff, v8;
	v8 =	vld.idx.msk [tilespmem:v39+s4+$0x0], $0xffff  }
0x24a: {  	[tilespmem:v54+s12+$0x0] =	vst.idx.msk $0xffff, v0;
	v0 =	vld.idx.msk [tilespmem:v51+s4+$0x0], $0xffff  }
0x24b: {  	v53 =	vadd.s32 s19, v36;
	v54 =	vld.idx.msk [tilespmem:v50+s4+$0x0], $0xffff;
	[tilespmem:v12+s12+$0x0] =	vst.idx.msk $0xffff, v4  }
0x24c: {  	v4 =	vand.u32 $0x1FFF8, v53;
	v2 =	vld.idx.msk [tilespmem:v2+s4+$0x0], $0xffff  }
0x24d: {  	v4 =	vor.u32 v1, v4;
	v38 =	vld [tilespmem:$0x1FF30]  }
0x24e: {  	v6 =	vadd.s32 $0x11, v28  }
0x24f: {  	[tilespmem:v56+s12+$0x0] =	vst.idx.msk $0xffff, v8  }
0x250: {  	[tilespmem:v47+s12+$0x0] =	vst.idx.msk $0xffff, v0;
	v8 =	vld.idx.msk [tilespmem:v52+s4+$0x0], $0xffff  }
0x251: {  	[tilespmem:v45+s12+$0x0] =	vst.idx.msk $0xffff, v54;
	v0 =	vld.idx.msk [tilespmem:v49+s4+$0x0], $0xffff  }
0x252: {  	v10 =	vld.idx.msk [tilespmem:v40+s4+$0x0], $0xffff;
	v55 =	vadd.s32 s19, v38;
	[tilespmem:v4+s12+$0x0] =	vst.idx.msk $0xffff, v2  }
0x253: {  	v2 =	vand.u32 $0x1FFF8, v55;
	v4 =	vld.idx.msk [tilespmem:v6+s4+$0x0], $0xffff  }
0x254: {  	v40 =	vld [tilespmem:$0x1FF50];
	v2 =	vor.u32 v3, v2;
	_ =	sdelay $0x1  }
0x255: {  	v6 =	vadd.s32 $0x12, v28;
	[tilespmem:v48+s12+$0x0] =	vst.idx.msk $0xffff, v8  }
0x256: {  	[tilespmem:v41+s12+$0x0] =	vst.idx.msk $0xffff, v0  }
0x257: {  	[tilespmem:v37+s12+$0x0] =	vst.idx.msk $0xffff, v10  }
0x258: {  	v56 =	vadd.s32 s19, v40;
	[tilespmem:v2+s12+$0x0] =	vst.idx.msk $0xffff, v4  }
0x259: {  	v2 =	vand.u32 $0x1FFF8, v56;
	v60 =	vld [tilespmem:$0x1FF00]  }
0x25a: {  	v4 =	vld.idx.msk [tilespmem:v6+s4+$0x0], $0xffff;
	v2 =	vor.u32 v5, v2  }
0x25b: {  	v8 =	vadd.s32 $0x13, v28;
	v57 =	vld.idx.msk [tilespmem:v46+s4+$0x0], $0xffff;
	v6 =	vor.u32 v5, v32  }
0x25c: {  	v0 =	vadd.s32 $0x13, v31;
	v16 =	vld.idx.msk [tilespmem:v42+s4+$0x0], $0xffff  }
0x25d: {  	v59 =	vadd.s32 $0x13, v30;
	v58 =	vor.u32 v5, v14;
	v17 =	vld.idx.msk [tilespmem:v33+s4+$0x0], $0xffff  }
0x25e: {  	v18 =	vadd.s32 $0x13, v29;
	v19 =	vadd.s32 s19, v60  }
0x25f: {  	v20 =	vadd.s32 s18, v60;
	[tilespmem:v2+s12+$0x0] =	vst.idx.msk $0xffff, v4;
	v2 =	vand.u32 $0x1FFF8, v19  }
0x260: {  	v4 =	vadd.s32 s21, v60;
	[tilespmem:v6+s12+$0x0] =	vst.idx.msk $0xffff, v57;
	v19 =	vand.u32 $0x1FFF8, v20;
	v8 =	vld.idx.msk [tilespmem:v8+s4+$0x0], $0xffff;
	v2 =	vor.u32 v7, v2  }
0x261: {  	[tilespmem:v35+s12+$0x0] =	vst.idx.msk $0xffff, v16;
	v6 =	vadd.s32 s20, v60;
	v4 =	vand.u32 $0x1FFF8, v4;
	v0 =	vld.idx.msk [tilespmem:v0+s4+$0x0], $0xffff;
	v61 =	vor.u32 v7, v19  }
0x262: {  	[tilespmem:v58+s12+$0x0] =	vst.idx.msk $0xffff, v17;
	v62 =	vld.idx.msk [tilespmem:v59+s4+$0x0], $0xffff;
	v6 =	vand.u32 $0x1FFF8, v6;
	v4 =	vor.u32 v7, v4  }
0x263: {  	v63 =	vld.idx.msk [tilespmem:v18+s4+$0x0], $0xffff;
	v6 =	vor.u32 v7, v6;
	_ =	sdelay $0x1  }
0x264: {  	[tilespmem:v2+s12+$0x0] =	vst.idx.msk $0xffff, v8  }
0x265: {  	[tilespmem:v61+s12+$0x0] =	vst.idx.msk $0xffff, v0  }
0x266: {  	[tilespmem:v4+s12+$0x0] =	vst.idx.msk $0xffff, v62  }
0x267: {  	[tilespmem:v6+s12+$0x0] =	vst.idx.msk $0xffff, v63  }
0x268: {  	v18 =	vld [tilespmem:$0x1FFF0]  }
0x269: {  	s16 =	sadd.s32 $0x1, s16;
	v20 =	vld [tilespmem:$0x1FFE0]  }
0x26a: {  	s17 =	smul.u32 $0x14, s17;
	p0 =	sne.s32 s16, $0x19;
	v22 =	vld [tilespmem:$0x1FFC0]  }
.Ltmp2:
0x26b: {  	v23 =	vld [tilespmem:$0x1FFD0];
	(pc) =	sbr.rel @p0 .LBB2_2-.Ltmp2, $4  }
0x26c: {  	v57 =	vld [tilespmem:$0x1FFA0]  }
0x26d: {  	s17 =	sshrl.u32 s17, $0x3;
	v58 =	vld [tilespmem:$0x1FFB0]  }
0x26e: {  	s17 =	sadd.s32 s3, s17;
	v54 =	vld [tilespmem:$0x1FF60]  }
0x26f: {  	v19 =	vmov v9;
	[hbm4b:s17+s4] =	stream.linear.scatter [tilespmem:s12], [sflag:$0x2], $0xA000, $0x38;
	v59 =	vld [tilespmem:$0x1FF90]  }
0x270: {  	s15 =	sadd.s32 $0x1, s15  }
0x271: {  	_ =	swait.ge [sflag:s13], $0xA000;
	p0 =	sne.s32 s15, s7  }
.Ltmp3:
0x272: {  	[sflag:s13] =	ssyncset.done $0x0;
	(pc) =	sbr.rel @p0 .LBB2_1-.Ltmp3, $4  }
0x273: {  	[sflag:s13] =	ssyncadd.s32 $0xFFFF6000  }
0x274: {  	_ =	swait.ge [sflag:s14], $0xA000  }
0x275: {  	[sflag:s14] =	ssyncset.done $0x0  }
0x276: {  	[sflag:s14] =	ssyncadd.s32 $0xFFFF6000  }
0x277: {  	_ =	sfence.sel $0x180000  }
0x278: {  	[bflag:$0x0] =	sbarrier.arrive $0xFFFF  }
0x279: {  	p0 =	sne.s32 s5, $0x0;
	_ =	strace $0x90000047  }
0x27a: {  	s0 =	sadd.s32 @!p0 $0x100000, s2;
	[bflag:$0x2] =	sbarrier.arrive $0xFFFF  }
0x27b: {  	[sflag:s0] =	ssyncadd.tile.s32 @!p0 $0x1;
	_ =	shalt  }
.Lfunc_end2:
_tile_overlayer_lowered:
.L_overlay_start_2:
0x27c: {  	(tag) =	ssettag $0x2  }
0x27d: {  	s0 =	rddreg [dreg:$0x0];
	s2 =	stileid.u32  }
0x27e: {  	s1 =	rddreg [dreg:$0x1];
	p0 =	sne.s32 s2, $0x0  }
0x27f: {  	s3 =	rddreg [dreg:$0x2];
	[bflag:$0x3] =	sbarrier.arrive $0xFFFF;
	s2 =	simm.s32 @!p0 $0x1C03  }
0x280: {  	[timem:s3], [sflag:s2] =	dma.local @!p0 [hbm:s0], s1  }
0x281: {  	s0 =	simm.s32 @!p0 $0x3  }
0x282: {  	_ =	swait.ge @!p0 [sflag:s0], s1  }
0x283: {  	s1 =	ssub.s32 @!p0 $0x0, s1;
	[sflag:s0] =	ssyncset.done @!p0 $0x0  }
0x284: {  	[sflag:s0] =	ssyncadd.s32 @!p0 s1  }
0x285: {  	[bflag:$0x3] =	sbarrier.arrive $0xFFFF  }
0x286: {  	_ =	shalt  }

</sc_bundles>
